<compile_context>
chip_gen: v7x
topology: tpu7x:2x2x1
jax: 0.10.2.dev20260603
libtpu: 0.0.44.dev20260713+nightly
codegen_flags: <defaults>
</compile_context>

<pallas_src>
import functools

import jax
import jax.numpy as jnp
from jax import lax
from jax.experimental import pallas as pl
from jax.experimental.pallas import tpu as pltpu
from jax.experimental.pallas import tpu_sc as plsc

_B, _N, _STRIDE, _K = 2, 8192, 4, 32
_S = _N // _STRIDE
_CLP, _CIN, _COUT, _CMID = 16, 128, 128, 32
_EPS = 1e-5
_HIGH = lax.Precision.HIGHEST

_NT1 = 512


def _post_body(f_ref, w_ref, z_ref, st_ref):
    b = pl.program_id(0)
    n = pl.program_id(1)
    ftile = f_ref[0]
    w = w_ref[...]
    z = lax.dot_general(ftile, w, (((0,), (1,)), ((), ())),
                        preferred_element_type=jnp.float32)
    z_ref[0] = z

    @pl.when((b == 0) & (n == 0))
    def _():
        st_ref[...] = jnp.zeros_like(st_ref)

    st_ref[0:1, :] += jnp.sum(z, axis=0)[None, :]
    st_ref[1:2, :] += jnp.sum(z * z, axis=0)[None, :]


def _postconv(f, w_post):
    return pl.pallas_call(
        _post_body,
        grid=(_B, _N // _NT1),
        in_specs=[
            pl.BlockSpec((1, _CIN, _NT1), lambda b, n: (b, 0, n)),
            pl.BlockSpec((_COUT, _CIN), lambda b, n: (0, 0)),
        ],
        out_specs=[
            pl.BlockSpec((1, _NT1, _COUT), lambda b, n: (b, n, 0)),
            pl.BlockSpec((8, 128), lambda b, n: (0, 0)),
        ],
        out_shape=[
            jax.ShapeDtypeStruct((_B, _N, _COUT), jnp.float32),
            jax.ShapeDtypeStruct((8, 128), jnp.float32),
        ],
    )(f, w_post)


_ST2 = 128
_CN2 = 512
_NCH = _N // _CN2


def _bq_body(q_ref, p_ref, tri_ref, g_ref, cnt_ref):
    b = pl.program_id(0)
    c = pl.program_id(2)

    @pl.when(c == 0)
    def _():
        cnt_ref[...] = jnp.zeros_like(cnt_ref)
        g_ref[...] = jnp.zeros_like(g_ref)

    prev = cnt_ref[...][:, 0:1]

    @pl.when(jnp.min(prev) < float(_K))
    def _():
        q = q_ref[0]
        pc = p_ref[0]
        dx = q[:, 0:1] - pc[0:1, :]
        dy = q[:, 1:2] - pc[1:2, :]
        dz = q[:, 2:3] - pc[2:3, :]
        d2 = (dx * dx + dy * dy) + dz * dz
        mask = d2 < (0.15 ** 2)
        mf = jnp.where(mask, 1.0, 0.0)
        rowhits = jnp.sum(mf, axis=1, keepdims=True)
        newhits = jnp.sum(jnp.where(prev < float(_K), rowhits, 0.0))

        @pl.when(newhits > 0.0)
        def _():
            cs = lax.dot_general(mf.astype(jnp.bfloat16), tri_ref[...],
                                 (((1,), (0,)), ((), ())),
                                 preferred_element_type=jnp.float32)
            ci = cs + prev
            cim = jnp.where(mask, ci, 0.0)
            jglob = (lax.broadcasted_iota(jnp.int32, (_ST2, _CN2), 1).astype(
                jnp.float32) + (c * _CN2 + b * _N).astype(jnp.float32))
            acc = jnp.zeros((_ST2, _K), jnp.float32)
            kio = lax.broadcasted_iota(jnp.int32, (1, _K), 1)
            for k in range(_K):
                contrib = jnp.sum(
                    jnp.where(cim == float(k + 1), jglob, 0.0),
                    axis=1, keepdims=True)
                acc = acc + contrib * jnp.where(kio == k, 1.0, 0.0)
            g_ref[0] += acc

        cnt_ref[...] = cnt_ref[...] + rowhits

    @pl.when(c == _NCH - 1)
    def _():
        g = g_ref[0]
        cnt = cnt_ref[...][:, 0:1]
        kio2 = lax.broadcasted_iota(jnp.int32, (_ST2, _K), 1).astype(
            jnp.float32)
        g_ref[0] = jnp.where(kio2 < cnt, g, g[:, 0:1])


def _ball_query(new_p, p2, tri):
    return pl.pallas_call(
        _bq_body,
        grid=(_B, _S // _ST2, _NCH),
        in_specs=[
            pl.BlockSpec((1, _ST2, 3), lambda b, s, c: (b, s, 0)),
            pl.BlockSpec((1, 3, _CN2), lambda b, s, c: (b, 0, c)),
            pl.BlockSpec((_CN2, _CN2), lambda b, s, c: (0, 0)),
        ],
        out_specs=pl.BlockSpec((1, _ST2, _K), lambda b, s, c: (b, s, 0)),
        out_shape=jax.ShapeDtypeStruct((_B, _S, _K), jnp.float32),
        scratch_shapes=[pltpu.VMEM((_ST2, 128), jnp.float32)],
    )(new_p, p2, tri)


def _sc_center_gather(table_m, idx_flat):
    info = plsc.get_sparse_core_info()
    nw = info.num_cores * info.num_subcores
    nidx = idx_flat.shape[0]
    per_w = nidx // nw
    mesh = plsc.VectorSubcoreMesh(core_axis_name="c", subcore_axis_name="s")

    @functools.partial(
        pl.kernel, mesh=mesh,
        out_type=jax.ShapeDtypeStruct((nidx, 128), jnp.float32),
        scratch_types=[
            pltpu.VMEM((per_w,), jnp.int32),
            pltpu.VMEM((per_w, 128), jnp.float32),
            pltpu.SemaphoreType.DMA,
        ],
    )
    def k(tab_hbm, idx_hbm, out, idx_v, buf, sem):
        wid = lax.axis_index("s") * info.num_cores + lax.axis_index("c")
        base = wid * per_w
        pltpu.sync_copy(idx_hbm.at[pl.ds(base, per_w)], idx_v)
        pltpu.async_copy(tab_hbm.at[idx_v], buf, sem).wait()
        pltpu.sync_copy(buf, out.at[pl.ds(base, per_w)])

    return k(table_m, idx_flat)


def _sc_neighbor_gather(table_m, table_z, gidx_flat):
    info = plsc.get_sparse_core_info()
    nw = info.num_cores * info.num_subcores
    nidx = gidx_flat.shape[0]
    chunk = 128
    per_w = nidx // nw
    nloop = per_w // chunk
    mesh = plsc.VectorSubcoreMesh(core_axis_name="c", subcore_axis_name="s")

    @functools.partial(
        pl.kernel, mesh=mesh,
        out_type=[
            jax.ShapeDtypeStruct((nidx, 128), jnp.float32),
            jax.ShapeDtypeStruct((nidx, 128), jnp.float32),
        ],
        scratch_types=[
            pltpu.VMEM((chunk,), jnp.int32),
            pltpu.VMEM((chunk, 128), jnp.float32),
            pltpu.VMEM((chunk, 128), jnp.float32),
            pltpu.SemaphoreType.DMA,
            pltpu.SemaphoreType.DMA,
        ],
    )
    def k(m_hbm, z_hbm, idx_hbm, out_lpj, out_fj, idx_v, bl, bz, s1, s2):
        wid = lax.axis_index("s") * info.num_cores + lax.axis_index("c")
        base = wid * per_w

        def body(i, carry):
            off = base + i * chunk
            pltpu.sync_copy(idx_hbm.at[pl.ds(off, chunk)], idx_v)
            c1 = pltpu.async_copy(m_hbm.at[idx_v], bl, s1)
            c2 = pltpu.async_copy(z_hbm.at[idx_v], bz, s2)
            c1.wait()
            c2.wait()
            pltpu.sync_copy(bl, out_lpj.at[pl.ds(off, chunk)])
            pltpu.sync_copy(bz, out_fj.at[pl.ds(off, chunk)])
            return carry

        lax.fori_loop(0, nloop, body, 0)

    return k(table_m, table_z, gidx_flat)


_MT = 4096
_NM = _B * _S * _K // _MT


def _p1_body(lpj_ref, li_ref, s_ref, c_ref):
    g = pl.program_id(0)
    d = lpj_ref[...] - li_ref[...]

    @pl.when(g == 0)
    def _():
        s_ref[...] = jnp.zeros_like(s_ref)
        c_ref[...] = jnp.zeros_like(c_ref)

    s_ref[...] += jnp.sum(d, axis=0)[None, :]
    c_ref[...] += lax.dot_general(d, d, (((0,), (0,)), ((), ())),
                                  preferred_element_type=jnp.float32)


def _pass1(lpj2, lirep):
    return pl.pallas_call(
        _p1_body,
        grid=(_NM,),
        in_specs=[
            pl.BlockSpec((_MT, _CLP), lambda g: (g, 0)),
            pl.BlockSpec((_MT, _CLP), lambda g: (g, 0)),
        ],
        out_specs=[
            pl.BlockSpec((1, _CLP), lambda g: (0, 0)),
            pl.BlockSpec((_CLP, _CLP), lambda g: (0, 0)),
        ],
        out_shape=[
            jax.ShapeDtypeStruct((1, _CLP), jnp.float32),
            jax.ShapeDtypeStruct((_CLP, _CLP), jnp.float32),
        ],
    )(lpj2, lirep)


def _p2_body(lpj_ref, li_ref, w1_ref, a1_ref, s_ref, c_ref):
    g = pl.program_id(0)
    d = lpj_ref[...] - li_ref[...]
    h1 = lax.dot_general(d, w1_ref[...], (((1,), (1,)), ((), ())),
                         preferred_element_type=jnp.float32)
    h1n = jnp.maximum(h1 * a1_ref[0:1, :] + a1_ref[1:2, :], 0.0)

    @pl.when(g == 0)
    def _():
        s_ref[...] = jnp.zeros_like(s_ref)
        c_ref[...] = jnp.zeros_like(c_ref)

    s_ref[...] += jnp.sum(h1n, axis=0)[None, :]
    c_ref[...] += lax.dot_general(h1n, h1n, (((0,), (0,)), ((), ())),
                                  preferred_element_type=jnp.float32)


def _pass2(lpj2, lirep, w1, aff1):
    return pl.pallas_call(
        _p2_body,
        grid=(_NM,),
        in_specs=[
            pl.BlockSpec((_MT, _CLP), lambda g: (g, 0)),
            pl.BlockSpec((_MT, _CLP), lambda g: (g, 0)),
            pl.BlockSpec((_CMID, _CLP), lambda g: (0, 0)),
            pl.BlockSpec((2, _CMID), lambda g: (0, 0)),
        ],
        out_specs=[
            pl.BlockSpec((1, _CMID), lambda g: (0, 0)),
            pl.BlockSpec((_CMID, _CMID), lambda g: (0, 0)),
        ],
        out_shape=[
            jax.ShapeDtypeStruct((1, _CMID), jnp.float32),
            jax.ShapeDtypeStruct((_CMID, _CMID), jnp.float32),
        ],
    )(lpj2, lirep, w1, aff1)


def _p3_body(lpj_ref, li_ref, fj_ref, w1_ref, a1_ref, w2_ref, a2_ref,
             ap_ref, o_ref):
    d = lpj_ref[...] - li_ref[...]
    h1 = lax.dot_general(d, w1_ref[...], (((1,), (1,)), ((), ())),
                         preferred_element_type=jnp.float32)
    h1n = jnp.maximum(h1 * a1_ref[0:1, :] + a1_ref[1:2, :], 0.0)
    h2 = lax.dot_general(h1n, w2_ref[...], (((1,), (1,)), ((), ())),
                         preferred_element_type=jnp.float32)
    h = jnp.maximum(h2 * a2_ref[0:1, :] + a2_ref[1:2, :], 0.0)
    fj = jnp.maximum(fj_ref[...] * ap_ref[0:1, :] + ap_ref[1:2, :], 0.0)
    t = (fj + h).reshape(_MT // _K, _K, _COUT)
    o_ref[...] = jnp.max(t, axis=1)


def _pass3(lpj2, lirep, fj2, w1, aff1, w2, aff2, affp):
    return pl.pallas_call(
        _p3_body,
        grid=(_NM,),
        in_specs=[
            pl.BlockSpec((_MT, _CLP), lambda g: (g, 0)),
            pl.BlockSpec((_MT, _CLP), lambda g: (g, 0)),
            pl.BlockSpec((_MT, _COUT), lambda g: (g, 0)),
            pl.BlockSpec((_CMID, _CLP), lambda g: (0, 0)),
            pl.BlockSpec((2, _CMID), lambda g: (0, 0)),
            pl.BlockSpec((_COUT, _CMID), lambda g: (0, 0)),
            pl.BlockSpec((2, _COUT), lambda g: (0, 0)),
            pl.BlockSpec((2, _COUT), lambda g: (0, 0)),
        ],
        out_specs=pl.BlockSpec((_MT // _K, _COUT), lambda g: (g, 0)),
        out_shape=jax.ShapeDtypeStruct((_B * _S, _COUT), jnp.float32),
    )(lpj2, lirep, fj2, w1, aff1, w2, aff2, affp)


def kernel(p, lp, f, W_post, g_post, b_post, W_loc1, g1, b1, W_loc2, g2, b2):
    skey = jax.random.key(42)
    idx = jax.vmap(lambda k: jax.random.permutation(k, _N)[:_S])(
        jax.random.split(skey, _B))

    lp_t = jnp.transpose(lp, (0, 2, 1))
    table_m = jnp.concatenate(
        [lp_t, p, jnp.zeros((_B, _N, 128 - _CLP - 3), jnp.float32)], axis=-1
    ).reshape(_B * _N, 128)
    p2 = jnp.transpose(p, (0, 2, 1))

    offs = (jnp.arange(_B, dtype=jnp.int32) * _N)[:, None]
    idx_flat = (idx.astype(jnp.int32) + offs).reshape(-1)

    centers = _sc_center_gather(table_m, idx_flat).reshape(_B, _S, 128)
    new_p = centers[:, :, _CLP:_CLP + 3]
    lpi_t = centers[:, :, :_CLP]
    lpi = jnp.transpose(lpi_t, (0, 2, 1))

    z_t, st = _postconv(f, W_post)
    cntn = float(_B * _N)
    mean_p = st[0, :] / cntn
    var_p = st[1, :] / cntn - mean_p * mean_p
    a_p = g_post / jnp.sqrt(var_p + _EPS)
    c_p = b_post - mean_p * a_p
    affp = jnp.stack([a_p, c_p])

    ar = jnp.arange(_CN2, dtype=jnp.int32)
    tri = (ar[:, None] <= ar[None, :]).astype(jnp.bfloat16)
    gidx_f = _ball_query(new_p, p2, tri)
    gidx_flat = gidx_f.astype(jnp.int32).reshape(-1)

    lpj_rows, fj_rows = _sc_neighbor_gather(
        table_m, z_t.reshape(_B * _N, _COUT), gidx_flat)
    bm = _B * _S * _K
    lpj2 = lpj_rows.reshape(bm, 8, _CLP)[:, 0, :]
    lirep = jnp.broadcast_to(
        lpi_t.reshape(_B * _S, 1, _CLP), (_B * _S, _K, _CLP)).reshape(bm, _CLP)

    msamp = float(bm)
    s1, c1m = _pass1(lpj2, lirep)
    mu_d = s1[0] / msamp
    cov_d = c1m / msamp - jnp.outer(mu_d, mu_d)
    m1 = W_loc1 @ mu_d
    v1 = jnp.sum((W_loc1 @ cov_d) * W_loc1, axis=1)
    a1 = g1 / jnp.sqrt(v1 + _EPS)
    aff1 = jnp.stack([a1, b1 - m1 * a1])

    s2, c2m = _pass2(lpj2, lirep, W_loc1, aff1)
    mu_h = s2[0] / msamp
    cov_h = c2m / msamp - jnp.outer(mu_h, mu_h)
    m2 = W_loc2 @ mu_h
    v2 = jnp.sum((W_loc2 @ cov_h) * W_loc2, axis=1)
    a2 = g2 / jnp.sqrt(v2 + _EPS)
    aff2 = jnp.stack([a2, b2 - m2 * a2])

    fout_t = _pass3(lpj2, lirep, fj_rows, W_loc1, aff1, W_loc2, aff2, affp)
    fout = jnp.transpose(fout_t.reshape(_B, _S, _COUT), (0, 2, 1))
    return (new_p, lpi, fout)

# --- scband reference (transcript-rebuilt; emitter-appended) ---
"""Pipeline reference for scband-set-abstraction-61280593379861 (READ-ONLY COPY).

The authoritative reference and input builder live on the scoring server;
editing this copy changes nothing except your own understanding.
"""

import jax, jax.numpy as jnp
import numpy as np

B, N, STRIDE, NSAMPLE = 2, 8192, 4, 32
RADIUS = 0.15
C_IN, C_OUT, C_LP, C_MID = 128, 128, 16, 32
EPS = 1e-5


def setup_inputs(seed: int = 0) -> dict:
    key = jax.random.key(seed)
    ks = jax.random.split(key, 8)
    p = jax.random.uniform(ks[0], (B, N, 3), dtype=jnp.float32)
    lp = jax.random.normal(ks[1], (B, C_LP, N), dtype=jnp.float32)
    f = jax.random.normal(ks[2], (B, C_IN, N), dtype=jnp.float32)
    W_post = jax.random.normal(ks[3], (C_OUT, C_IN), dtype=jnp.float32) / np.sqrt(C_IN)
    g_post = jnp.ones((C_OUT,), dtype=jnp.float32)
    b_post = jnp.zeros((C_OUT,), dtype=jnp.float32)
    W_loc1 = jax.random.normal(ks[4], (C_MID, C_LP), dtype=jnp.float32) / np.sqrt(C_LP)
    g1 = jnp.ones((C_MID,), dtype=jnp.float32)
    b1 = jnp.zeros((C_MID,), dtype=jnp.float32)
    W_loc2 = jax.random.normal(ks[5], (C_OUT, C_MID), dtype=jnp.float32) / np.sqrt(C_MID)
    g2 = jnp.ones((C_OUT,), dtype=jnp.float32)
    b2 = jnp.zeros((C_OUT,), dtype=jnp.float32)
    return {"p": p, "lp": lp, "f": f, "W_post": W_post, "g_post": g_post, "b_post": b_post,
            "W_loc1": W_loc1, "g1": g1, "b1": b1, "W_loc2": W_loc2, "g2": g2, "b2": b2}


def _bn(x, g, b, axes):
    m = jnp.mean(x, axis=axes, keepdims=True)
    v = jnp.var(x, axis=axes, keepdims=True)
    xn = (x - m) / jnp.sqrt(v + EPS)
    shape = [1] * x.ndim
    shape[1] = -1
    return xn * g.reshape(shape) + b.reshape(shape)


def reference(p, lp, f, W_post, g_post, b_post, W_loc1, g1, b1, W_loc2, g2, b2):
    Bb, Nn, _ = p.shape
    S = Nn // STRIDE
    # random_sample: random point subset indices (deterministic key)
    skey = jax.random.key(42)
    idx = jax.vmap(lambda k: jax.random.permutation(k, Nn)[:S])(jax.random.split(skey, Bb))  # [B,S]
    new_p = jnp.take_along_axis(p, idx[:, :, None], axis=1)               # [B,S,3]
    fi = jnp.take_along_axis(f, idx[:, None, :], axis=2)                  # [B,C_IN,S] (dp_fj gather)
    lpi = jnp.take_along_axis(lp, idx[:, None, :], axis=2)                # [B,16,S]
    # postconv: 1x1 conv (no bias) + BN (batch stats, train mode) + relu
    f2 = jnp.einsum('oi,bin->bon', W_post, f)
    f2 = jax.nn.relu(_bn(f2, g_post, b_post, (0, 2)))
    lpf = jnp.concatenate([lp, f2], axis=1)                               # [B,16+C_OUT,N]
    # ball query grouper: first NSAMPLE neighbors within RADIUS, pad with first hit
    d2 = jnp.sum((new_p[:, :, None, :] - p[:, None, :, :]) ** 2, axis=-1)  # [B,S,N]
    mask = d2 < RADIUS ** 2
    ids = jnp.where(mask, jnp.arange(Nn)[None, None, :], Nn)
    sids = jnp.sort(ids, axis=-1)[..., :NSAMPLE]
    first = sids[..., :1]
    gidx = jnp.where(sids == Nn, first, sids)                             # [B,S,K]
    grouped_xyz = jax.vmap(lambda pb, ib: pb[ib])(p, gidx)                # [B,S,K,3]
    dp = jnp.transpose(grouped_xyz - new_p[:, :, None, :], (0, 3, 1, 2))  # [B,3,S,K] (unused downstream, as in torch)
    lpfj = jax.vmap(lambda fb, ib: fb[:, ib])(lpf, gidx)                  # [B,16+C_OUT,S,K]
    lpj = lpfj[:, :C_LP]
    fj = lpfj[:, C_LP:]
    dlpj = lpj - lpi[:, :, :, None]
    h = jnp.einsum('oi,bisk->bosk', W_loc1, dlpj)
    h = jax.nn.relu(_bn(h, g1, b1, (0, 2, 3)))
    h = jnp.einsum('oi,bisk->bosk', W_loc2, h)
    h = jax.nn.relu(_bn(h, g2, b2, (0, 2, 3)))
    fout = jnp.max(fj + h, axis=-1)                                       # [B,C_OUT,S]
    return (new_p, lpi, fout)

if __name__ == "__main__":
    import jax
    _d = setup_inputs()
    print(jax.jit(kernel)(*tuple(_d.values())))

</pallas_src>

<mosaic_0001>
#map = affine_map<(d0, d1) -> (0, 0)>
#map1 = affine_map<(d0, d1) -> (0)>
module attributes {stable_mosaic.version = 14 : i64} {
  func.func @k(%arg0: i32, %arg1: i32, %arg2: memref<16384x128xf32, #tpu.memory_space<hbm>>, %arg3: memref<4096xi32, #tpu.memory_space<hbm>>, %arg4: memref<4096x128xf32, #tpu.memory_space<hbm>>, %arg5: memref<128xi32, #tpu.memory_space<vmem>>, %arg6: memref<128x128xf32, #tpu.memory_space<vmem>>, %arg7: memref<!tpu.dma_semaphore, #tpu.memory_space<semaphore_mem>>) attributes {dimension_semantics = [#tpu.dimension_semantics<core_parallel>, #tpu.dimension_semantics<subcore_parallel>], iteration_bounds = array<i64: 2, 16>, scalar_prefetch = 0 : i64, scratch_operands = 3 : i64, tpu.core_type = #tpu.core_type<sc_vector_subcore>, window_params = [{transform_indices = #map}, {transform_indices = #map1}, {transform_indices = #map}]} {
    %mul3A = arith.constant 2 : i32
    %mul3A_0 = arith.muli %arg1, %mul3A : i32
    %add3A = arith.addi %mul3A_0, %arg0 : i32
    %mul3A_1 = arith.constant 128 : i32
    %mul3A_2 = arith.muli %add3A, %mul3A_1 : i32
    "tpu.region"() ({
      %run_scoped3A = tpu.sem_alloc : memref<!tpu.dma_semaphore, #tpu.memory_space<semaphore_mem>>
      %dma_start3A_7 = tpu.memref_slice %arg3[%mul3A_2] : memref<4096xi32, #tpu.memory_space<hbm>> -> memref<128xi32, #tpu.memory_space<hbm>>
      %dma_start3A_8 = tpu.memref_slice %arg3[%mul3A_2] : memref<4096xi32, #tpu.memory_space<hbm>> -> memref<128xi32, #tpu.memory_space<hbm>>
      tpu.enqueue_dma source(%dma_start3A_8 : memref<128xi32, #tpu.memory_space<hbm>>) target(%arg5 : memref<128xi32, #tpu.memory_space<vmem>>) target_semaphore(%run_scoped3A : memref<!tpu.dma_semaphore, #tpu.memory_space<semaphore_mem>>)
      %dma_wait3A_9 = tpu.memref_slice %arg3[%mul3A_2] : memref<4096xi32, #tpu.memory_space<hbm>> -> memref<128xi32, #tpu.memory_space<hbm>>
      %dma_wait3A_10 = tpu.memref_slice %arg3[%mul3A_2] : memref<4096xi32, #tpu.memory_space<hbm>> -> memref<128xi32, #tpu.memory_space<hbm>>
      tpu.wait_dma2 semaphore(%run_scoped3A : memref<!tpu.dma_semaphore, #tpu.memory_space<semaphore_mem>>) src(%dma_wait3A_10 : memref<128xi32, #tpu.memory_space<hbm>>) dst(%arg5 : memref<128xi32, #tpu.memory_space<vmem>>)
      tpu.yield
    }) : () -> ()
    %dma_start3A = arith.constant 0 : i32
    %dma_start3A_3 = arith.constant 0 : i32
    %dma_start3A_4 = tpu.memref_slice %arg2[%dma_start3A, %dma_start3A_3] : memref<16384x128xf32, #tpu.memory_space<hbm>> -> memref<16384x128xf32, #tpu.memory_space<hbm>>
    tpu.enqueue_indirect_dma source(%dma_start3A_4 : memref<16384x128xf32, #tpu.memory_space<hbm>>) target(%arg6 : memref<128x128xf32, #tpu.memory_space<vmem>>) offsets(%arg5 : memref<128xi32, #tpu.memory_space<vmem>>) semaphore(%arg7 : memref<!tpu.dma_semaphore, #tpu.memory_space<semaphore_mem>>)
    %dma_wait3A = arith.constant 0 : i32
    %dma_wait3A_5 = arith.constant 0 : i32
    %dma_wait3A_6 = tpu.memref_slice %arg2[%dma_wait3A, %dma_wait3A_5] : memref<16384x128xf32, #tpu.memory_space<hbm>> -> memref<16384x128xf32, #tpu.memory_space<hbm>>
    tpu.wait_indirect_dma semaphore(%arg7 : memref<!tpu.dma_semaphore, #tpu.memory_space<semaphore_mem>>) src(%dma_wait3A_6 : memref<16384x128xf32, #tpu.memory_space<hbm>>) dst(%arg6 : memref<128x128xf32, #tpu.memory_space<vmem>>)
    "tpu.region"() ({
      %run_scoped3A = tpu.sem_alloc : memref<!tpu.dma_semaphore, #tpu.memory_space<semaphore_mem>>
      %dma_start3A_7 = arith.constant 0 : i32
      %dma_start3A_8 = tpu.memref_slice %arg4[%mul3A_2, %dma_start3A_7] : memref<4096x128xf32, #tpu.memory_space<hbm>> -> memref<128x128xf32, #tpu.memory_space<hbm>>
      %dma_start3A_9 = arith.constant 0 : i32
      %dma_start3A_10 = tpu.memref_slice %arg4[%mul3A_2, %dma_start3A_9] : memref<4096x128xf32, #tpu.memory_space<hbm>> -> memref<128x128xf32, #tpu.memory_space<hbm>>
      tpu.enqueue_dma source(%arg6 : memref<128x128xf32, #tpu.memory_space<vmem>>) target(%dma_start3A_10 : memref<128x128xf32, #tpu.memory_space<hbm>>) target_semaphore(%run_scoped3A : memref<!tpu.dma_semaphore, #tpu.memory_space<semaphore_mem>>)
      %dma_wait3A_11 = arith.constant 0 : i32
      %dma_wait3A_12 = tpu.memref_slice %arg4[%mul3A_2, %dma_wait3A_11] : memref<4096x128xf32, #tpu.memory_space<hbm>> -> memref<128x128xf32, #tpu.memory_space<hbm>>
      %dma_wait3A_13 = arith.constant 0 : i32
      %dma_wait3A_14 = tpu.memref_slice %arg4[%mul3A_2, %dma_wait3A_13] : memref<4096x128xf32, #tpu.memory_space<hbm>> -> memref<128x128xf32, #tpu.memory_space<hbm>>
      tpu.wait_dma2 semaphore(%run_scoped3A : memref<!tpu.dma_semaphore, #tpu.memory_space<semaphore_mem>>) src(%arg6 : memref<128x128xf32, #tpu.memory_space<vmem>>) dst(%dma_wait3A_14 : memref<128x128xf32, #tpu.memory_space<hbm>>)
      tpu.yield
    }) : () -> ()
    return
  }
}

#map = affine_map<(d0, d1) -> (0, 0)>
#map1 = affine_map<(d0, d1) -> (0)>
module attributes {stable_mosaic.version = 14 : i64} {
  func.func @k(%arg0: i32, %arg1: i32, %arg2: memref<16384x128xf32, #tpu.memory_space<hbm>>, %arg3: memref<16384x128xf32, #tpu.memory_space<hbm>>, %arg4: memref<131072xi32, #tpu.memory_space<hbm>>, %arg5: memref<131072x128xf32, #tpu.memory_space<hbm>>, %arg6: memref<131072x128xf32, #tpu.memory_space<hbm>>, %arg7: memref<128xi32, #tpu.memory_space<vmem>>, %arg8: memref<128x128xf32, #tpu.memory_space<vmem>>, %arg9: memref<128x128xf32, #tpu.memory_space<vmem>>, %arg10: memref<!tpu.dma_semaphore, #tpu.memory_space<semaphore_mem>>, %arg11: memref<!tpu.dma_semaphore, #tpu.memory_space<semaphore_mem>>) attributes {dimension_semantics = [#tpu.dimension_semantics<core_parallel>, #tpu.dimension_semantics<subcore_parallel>], iteration_bounds = array<i64: 2, 16>, scalar_prefetch = 0 : i64, scratch_operands = 5 : i64, tpu.core_type = #tpu.core_type<sc_vector_subcore>, window_params = [{transform_indices = #map}, {transform_indices = #map}, {transform_indices = #map1}, {transform_indices = #map}, {transform_indices = #map}]} {
    %mul3A = arith.constant 2 : i32
    %mul3A_0 = arith.muli %arg1, %mul3A : i32
    %add3A = arith.addi %mul3A_0, %arg0 : i32
    %mul3A_1 = arith.constant 4096 : i32
    %mul3A_2 = arith.muli %add3A, %mul3A_1 : i32
    %scan3A = arith.constant 0 : i32
    %scan3A_3 = arith.constant 0 : i32
    %scan3A_4 = arith.constant 32 : i32
    %scan3A_5 = arith.addi %scan3A_3, %scan3A_4 : i32
    %scan3A_6 = arith.constant 1 : i32
    scf.for %scan3A_8 = %scan3A_3 to %scan3A_5 step %scan3A_6  : i32 {
      %mul3A_9 = arith.constant 128 : i32
      %mul3A_10 = arith.muli %scan3A_8, %mul3A_9 : i32
      %add3A_11 = arith.addi %mul3A_2, %mul3A_10 : i32
      "tpu.region"() ({
        %run_scoped3A = tpu.sem_alloc : memref<!tpu.dma_semaphore, #tpu.memory_space<semaphore_mem>>
        %dma_start3A_22 = tpu.memref_slice %arg4[%add3A_11] : memref<131072xi32, #tpu.memory_space<hbm>> -> memref<128xi32, #tpu.memory_space<hbm>>
        %dma_start3A_23 = tpu.memref_slice %arg4[%add3A_11] : memref<131072xi32, #tpu.memory_space<hbm>> -> memref<128xi32, #tpu.memory_space<hbm>>
        tpu.enqueue_dma source(%dma_start3A_23 : memref<128xi32, #tpu.memory_space<hbm>>) target(%arg7 : memref<128xi32, #tpu.memory_space<vmem>>) target_semaphore(%run_scoped3A : memref<!tpu.dma_semaphore, #tpu.memory_space<semaphore_mem>>)
        %dma_wait3A_24 = tpu.memref_slice %arg4[%add3A_11] : memref<131072xi32, #tpu.memory_space<hbm>> -> memref<128xi32, #tpu.memory_space<hbm>>
        %dma_wait3A_25 = tpu.memref_slice %arg4[%add3A_11] : memref<131072xi32, #tpu.memory_space<hbm>> -> memref<128xi32, #tpu.memory_space<hbm>>
        tpu.wait_dma2 semaphore(%run_scoped3A : memref<!tpu.dma_semaphore, #tpu.memory_space<semaphore_mem>>) src(%dma_wait3A_25 : memref<128xi32, #tpu.memory_space<hbm>>) dst(%arg7 : memref<128xi32, #tpu.memory_space<vmem>>)
        tpu.yield
      }) : () -> ()
      %dma_start3A = arith.constant 0 : i32
      %dma_start3A_12 = arith.constant 0 : i32
      %dma_start3A_13 = tpu.memref_slice %arg2[%dma_start3A, %dma_start3A_12] : memref<16384x128xf32, #tpu.memory_space<hbm>> -> memref<16384x128xf32, #tpu.memory_space<hbm>>
      tpu.enqueue_indirect_dma source(%dma_start3A_13 : memref<16384x128xf32, #tpu.memory_space<hbm>>) target(%arg8 : memref<128x128xf32, #tpu.memory_space<vmem>>) offsets(%arg7 : memref<128xi32, #tpu.memory_space<vmem>>) semaphore(%arg10 : memref<!tpu.dma_semaphore, #tpu.memory_space<semaphore_mem>>)
      %dma_start3A_14 = arith.constant 0 : i32
      %dma_start3A_15 = arith.constant 0 : i32
      %dma_start3A_16 = tpu.memref_slice %arg3[%dma_start3A_14, %dma_start3A_15] : memref<16384x128xf32, #tpu.memory_space<hbm>> -> memref<16384x128xf32, #tpu.memory_space<hbm>>
      tpu.enqueue_indirect_dma source(%dma_start3A_16 : memref<16384x128xf32, #tpu.memory_space<hbm>>) target(%arg9 : memref<128x128xf32, #tpu.memory_space<vmem>>) offsets(%arg7 : memref<128xi32, #tpu.memory_space<vmem>>) semaphore(%arg11 : memref<!tpu.dma_semaphore, #tpu.memory_space<semaphore_mem>>)
      %dma_wait3A = arith.constant 0 : i32
      %dma_wait3A_17 = arith.constant 0 : i32
      %dma_wait3A_18 = tpu.memref_slice %arg2[%dma_wait3A, %dma_wait3A_17] : memref<16384x128xf32, #tpu.memory_space<hbm>> -> memref<16384x128xf32, #tpu.memory_space<hbm>>
      tpu.wait_indirect_dma semaphore(%arg10 : memref<!tpu.dma_semaphore, #tpu.memory_space<semaphore_mem>>) src(%dma_wait3A_18 : memref<16384x128xf32, #tpu.memory_space<hbm>>) dst(%arg8 : memref<128x128xf32, #tpu.memory_space<vmem>>)
      %dma_wait3A_19 = arith.constant 0 : i32
      %dma_wait3A_20 = arith.constant 0 : i32
      %dma_wait3A_21 = tpu.memref_slice %arg3[%dma_wait3A_19, %dma_wait3A_20] : memref<16384x128xf32, #tpu.memory_space<hbm>> -> memref<16384x128xf32, #tpu.memory_space<hbm>>
      tpu.wait_indirect_dma semaphore(%arg11 : memref<!tpu.dma_semaphore, #tpu.memory_space<semaphore_mem>>) src(%dma_wait3A_21 : memref<16384x128xf32, #tpu.memory_space<hbm>>) dst(%arg9 : memref<128x128xf32, #tpu.memory_space<vmem>>)
      "tpu.region"() ({
        %run_scoped3A = tpu.sem_alloc : memref<!tpu.dma_semaphore, #tpu.memory_space<semaphore_mem>>
        %dma_start3A_22 = arith.constant 0 : i32
        %dma_start3A_23 = tpu.memref_slice %arg5[%add3A_11, %dma_start3A_22] : memref<131072x128xf32, #tpu.memory_space<hbm>> -> memref<128x128xf32, #tpu.memory_space<hbm>>
        %dma_start3A_24 = arith.constant 0 : i32
        %dma_start3A_25 = tpu.memref_slice %arg5[%add3A_11, %dma_start3A_24] : memref<131072x128xf32, #tpu.memory_space<hbm>> -> memref<128x128xf32, #tpu.memory_space<hbm>>
        tpu.enqueue_dma source(%arg8 : memref<128x128xf32, #tpu.memory_space<vmem>>) target(%dma_start3A_25 : memref<128x128xf32, #tpu.memory_space<hbm>>) target_semaphore(%run_scoped3A : memref<!tpu.dma_semaphore, #tpu.memory_space<semaphore_mem>>)
        %dma_wait3A_26 = arith.constant 0 : i32
        %dma_wait3A_27 = tpu.memref_slice %arg5[%add3A_11, %dma_wait3A_26] : memref<131072x128xf32, #tpu.memory_space<hbm>> -> memref<128x128xf32, #tpu.memory_space<hbm>>
        %dma_wait3A_28 = arith.constant 0 : i32
        %dma_wait3A_29 = tpu.memref_slice %arg5[%add3A_11, %dma_wait3A_28] : memref<131072x128xf32, #tpu.memory_space<hbm>> -> memref<128x128xf32, #tpu.memory_space<hbm>>
        tpu.wait_dma2 semaphore(%run_scoped3A : memref<!tpu.dma_semaphore, #tpu.memory_space<semaphore_mem>>) src(%arg8 : memref<128x128xf32, #tpu.memory_space<vmem>>) dst(%dma_wait3A_29 : memref<128x128xf32, #tpu.memory_space<hbm>>)
        tpu.yield
      }) : () -> ()
      "tpu.region"() ({
        %run_scoped3A = tpu.sem_alloc : memref<!tpu.dma_semaphore, #tpu.memory_space<semaphore_mem>>
        %dma_start3A_22 = arith.constant 0 : i32
        %dma_start3A_23 = tpu.memref_slice %arg6[%add3A_11, %dma_start3A_22] : memref<131072x128xf32, #tpu.memory_space<hbm>> -> memref<128x128xf32, #tpu.memory_space<hbm>>
        %dma_start3A_24 = arith.constant 0 : i32
        %dma_start3A_25 = tpu.memref_slice %arg6[%add3A_11, %dma_start3A_24] : memref<131072x128xf32, #tpu.memory_space<hbm>> -> memref<128x128xf32, #tpu.memory_space<hbm>>
        tpu.enqueue_dma source(%arg9 : memref<128x128xf32, #tpu.memory_space<vmem>>) target(%dma_start3A_25 : memref<128x128xf32, #tpu.memory_space<hbm>>) target_semaphore(%run_scoped3A : memref<!tpu.dma_semaphore, #tpu.memory_space<semaphore_mem>>)
        %dma_wait3A_26 = arith.constant 0 : i32
        %dma_wait3A_27 = tpu.memref_slice %arg6[%add3A_11, %dma_wait3A_26] : memref<131072x128xf32, #tpu.memory_space<hbm>> -> memref<128x128xf32, #tpu.memory_space<hbm>>
        %dma_wait3A_28 = arith.constant 0 : i32
        %dma_wait3A_29 = tpu.memref_slice %arg6[%add3A_11, %dma_wait3A_28] : memref<131072x128xf32, #tpu.memory_space<hbm>> -> memref<128x128xf32, #tpu.memory_space<hbm>>
        tpu.wait_dma2 semaphore(%run_scoped3A : memref<!tpu.dma_semaphore, #tpu.memory_space<semaphore_mem>>) src(%arg9 : memref<128x128xf32, #tpu.memory_space<vmem>>) dst(%dma_wait3A_29 : memref<128x128xf32, #tpu.memory_space<hbm>>)
        tpu.yield
      }) : () -> ()
    }
    %scan3A_7 = arith.constant 32 : i32
    return
  }
}

module attributes {stable_mosaic.version = 14 : i64} {
  func.func @_post_body(%arg0: i32, %arg1: i32, %arg2: memref<1x128x512xf32, #tpu.memory_space<vmem>>, %arg3: memref<128x128xf32, #tpu.memory_space<vmem>>, %arg4: memref<1x512x128xf32, #tpu.memory_space<vmem>>, %arg5: memref<8x128xf32, #tpu.memory_space<vmem>>) attributes {dimension_semantics = [#tpu.dimension_semantics<arbitrary>, #tpu.dimension_semantics<arbitrary>], iteration_bounds = array<i64: 2, 16>, scalar_prefetch = 0 : i64, scratch_operands = 0 : i64, tpu.core_type = #tpu.core_type<tc>, window_params = [{transform_indices = @transform_0, window_bounds = array<i64: 1, 128, 512>}, {pipeline_mode = #tpu.pipeline_mode<synchronous>, transform_indices = @transform_1, window_bounds = array<i64: 128, 128>}, {transform_indices = @transform_2, window_bounds = array<i64: 1, 512, 128>}, {pipeline_mode = #tpu.pipeline_mode<synchronous>, transform_indices = @transform_3, window_bounds = array<i64: 8, 128>}]} {
    %get3A = arith.constant 0 : index
    %get3A_0 = arith.constant 0 : index
    %get3A_1 = arith.constant 0 : index
    %get3A_2 = vector.load %arg2[%get3A, %get3A_0, %get3A_1] : memref<1x128x512xf32, #tpu.memory_space<vmem>>, vector<1x128x512xf32>
    %get3A_3 = vector.shape_cast %get3A_2 : vector<1x128x512xf32> to vector<128x512xf32>
    %get3A_4 = arith.constant 0 : index
    %get3A_5 = arith.constant 0 : index
    %get3A_6 = vector.load %arg3[%get3A_4, %get3A_5] : memref<128x128xf32, #tpu.memory_space<vmem>>, vector<128x128xf32>
    %dot_general3A = arith.constant dense<0.000000e+00> : vector<512x128xf32>
    %dot_general3A_7 = tpu.matmul %get3A_3, %get3A_6, %dot_general3A {dimension_numbers = #tpu.dot_dimension_numbers<[0], [1], [1], [0], [0, 1, 1, 0], [], []>, transpose_lhs_hint = false} : vector<128x512xf32>, vector<128x128xf32>, vector<512x128xf32> -> vector<512x128xf32>
    %swap3A = arith.constant 0 : index
    %swap3A_8 = arith.constant 0 : index
    %swap3A_9 = arith.constant 0 : index
    %swap3A_10 = vector.load %arg4[%swap3A, %swap3A_8, %swap3A_9] : memref<1x512x128xf32, #tpu.memory_space<vmem>>, vector<1x512x128xf32>
    %swap3A_11 = vector.shape_cast %swap3A_10 : vector<1x512x128xf32> to vector<512x128xf32>
    %swap3A_12 = vector.shape_cast %dot_general3A_7 : vector<512x128xf32> to vector<1x512x128xf32>
    tpu.vector_store %arg4[%swap3A, %swap3A_8, %swap3A_9], %swap3A_12 {strides = array<i32>} : memref<1x512x128xf32, #tpu.memory_space<vmem>>, vector<1x512x128xf32>,
    %eq3A = arith.constant 0 : i32
    %eq3A_13 = arith.cmpi eq, %arg0, %eq3A : i32
    %eq3A_14 = arith.constant 0 : i32
    %eq3A_15 = arith.cmpi eq, %arg1, %eq3A_14 : i32
    %and3A = arith.andi %eq3A_13, %eq3A_15 : i1
    %convert_element_type3A = arith.extui %and3A : i1 to i32
    %cond3A = arith.constant 0 : i32
    %cond3A_16 = arith.cmpi ne, %convert_element_type3A, %cond3A : i32
    scf.if %cond3A_16 {
      %broadcast_in_dim3A_34 = arith.constant 0.000000e+00 : f32
      %broadcast_in_dim3A_35 = vector.broadcast %broadcast_in_dim3A_34 : f32 to vector<8x128xf32>
      %swap3A_36 = arith.constant 0 : index
      %swap3A_37 = arith.constant 0 : index
      %swap3A_38 = vector.load %arg5[%swap3A_36, %swap3A_37] : memref<8x128xf32, #tpu.memory_space<vmem>>, vector<8x128xf32>
      tpu.vector_store %arg5[%swap3A_36, %swap3A_37], %broadcast_in_dim3A_35 {strides = array<i32>} : memref<8x128xf32, #tpu.memory_space<vmem>>, vector<8x128xf32>,
    } else {
    }
    %get3A_17 = arith.constant 0 : index
    %get3A_18 = arith.constant 0 : index
    %get3A_19 = vector.load %arg5[%get3A_17, %get3A_18] : memref<8x128xf32, #tpu.memory_space<vmem>>, vector<1x128xf32>
    %reduce_sum3A = arith.constant dense<0.000000e+00> : vector<128xf32>
    %reduce_sum3A_20 = vector.multi_reduction <add>, %dot_general3A_7, %reduce_sum3A [0] : vector<512x128xf32> to vector<128xf32>
    %broadcast_in_dim3A = vector.shape_cast %reduce_sum3A_20 : vector<128xf32> to vector<1x128xf32>
    %add3A = arith.addf %get3A_19, %broadcast_in_dim3A : vector<1x128xf32>
    %swap3A_21 = arith.constant 0 : index
    %swap3A_22 = arith.constant 0 : index
    %swap3A_23 = vector.load %arg5[%swap3A_21, %swap3A_22] : memref<8x128xf32, #tpu.memory_space<vmem>>, vector<1x128xf32>
    tpu.vector_store %arg5[%swap3A_21, %swap3A_22], %add3A {strides = array<i32>} : memref<8x128xf32, #tpu.memory_space<vmem>>, vector<1x128xf32>,
    %get3A_24 = arith.constant 1 : index
    %get3A_25 = arith.constant 0 : index
    %get3A_26 = vector.load %arg5[%get3A_24, %get3A_25] : memref<8x128xf32, #tpu.memory_space<vmem>>, vector<1x128xf32>
    %mul3A = arith.mulf %dot_general3A_7, %dot_general3A_7 : vector<512x128xf32>
    %reduce_sum3A_27 = arith.constant dense<0.000000e+00> : vector<128xf32>
    %reduce_sum3A_28 = vector.multi_reduction <add>, %mul3A, %reduce_sum3A_27 [0] : vector<512x128xf32> to vector<128xf32>
    %broadcast_in_dim3A_29 = vector.shape_cast %reduce_sum3A_28 : vector<128xf32> to vector<1x128xf32>
    %add3A_30 = arith.addf %get3A_26, %broadcast_in_dim3A_29 : vector<1x128xf32>
    %swap3A_31 = arith.constant 1 : index
    %swap3A_32 = arith.constant 0 : index
    %swap3A_33 = vector.load %arg5[%swap3A_31, %swap3A_32] : memref<8x128xf32, #tpu.memory_space<vmem>>, vector<1x128xf32>
    tpu.vector_store %arg5[%swap3A_31, %swap3A_32], %add3A_30 {strides = array<i32>} : memref<8x128xf32, #tpu.memory_space<vmem>>, vector<1x128xf32>,
    return
  }
  func.func @transform_0(%arg0: i32, %arg1: i32) -> (i32, i32, i32) {
    %c0_i32 = arith.constant 0 : i32
    %c0_i32_0 = arith.constant 0 : i32
    return %arg0, %c0_i32, %arg1 : i32, i32, i32
  }
  func.func @transform_1(%arg0: i32, %arg1: i32) -> (i32, i32) {
    %c0_i32 = arith.constant 0 : i32
    %c0_i32_0 = arith.constant 0 : i32
    %c0_i32_1 = arith.constant 0 : i32
    return %c0_i32, %c0_i32_0 : i32, i32
  }
  func.func @transform_2(%arg0: i32, %arg1: i32) -> (i32, i32, i32) {
    %c0_i32 = arith.constant 0 : i32
    %c0_i32_0 = arith.constant 0 : i32
    return %arg0, %arg1, %c0_i32 : i32, i32, i32
  }
  func.func @transform_3(%arg0: i32, %arg1: i32) -> (i32, i32) {
    %c0_i32 = arith.constant 0 : i32
    %c0_i32_0 = arith.constant 0 : i32
    %c0_i32_1 = arith.constant 0 : i32
    return %c0_i32, %c0_i32_0 : i32, i32
  }
}

module attributes {stable_mosaic.version = 14 : i64} {
  func.func @_bq_body(%arg0: i32, %arg1: i32, %arg2: i32, %arg3: memref<1x128x3xf32, #tpu.memory_space<vmem>>, %arg4: memref<1x3x512xf32, #tpu.memory_space<vmem>>, %arg5: memref<512x512xbf16, #tpu.memory_space<vmem>>, %arg6: memref<1x128x32xf32, #tpu.memory_space<vmem>>, %arg7: memref<128x128xf32, #tpu.memory_space<vmem>>) attributes {dimension_semantics = [#tpu.dimension_semantics<arbitrary>, #tpu.dimension_semantics<arbitrary>, #tpu.dimension_semantics<arbitrary>], iteration_bounds = array<i64: 2, 16, 16>, scalar_prefetch = 0 : i64, scratch_operands = 1 : i64, tpu.core_type = #tpu.core_type<tc>, window_params = [{transform_indices = @transform_0, window_bounds = array<i64: 1, 128, 3>}, {transform_indices = @transform_1, window_bounds = array<i64: 1, 3, 512>}, {pipeline_mode = #tpu.pipeline_mode<synchronous>, transform_indices = @transform_2, window_bounds = array<i64: 512, 512>}, {transform_indices = @transform_3, window_bounds = array<i64: 1, 128, 32>}]} {
    %eq3A = arith.constant 0 : i32
    %eq3A_0 = arith.cmpi eq, %arg2, %eq3A : i32
    %convert_element_type3A = arith.extui %eq3A_0 : i1 to i32
    %cond3A = arith.constant 0 : i32
    %cond3A_1 = arith.cmpi ne, %convert_element_type3A, %cond3A : i32
    scf.if %cond3A_1 {
      %broadcast_in_dim3A = arith.constant 0.000000e+00 : f32
      %broadcast_in_dim3A_17 = vector.broadcast %broadcast_in_dim3A : f32 to vector<128x128xf32>
      %swap3A = arith.constant 0 : index
      %swap3A_18 = arith.constant 0 : index
      %swap3A_19 = vector.load %arg7[%swap3A, %swap3A_18] : memref<128x128xf32, #tpu.memory_space<vmem>>, vector<128x128xf32>
      tpu.vector_store %arg7[%swap3A, %swap3A_18], %broadcast_in_dim3A_17 {strides = array<i32>} : memref<128x128xf32, #tpu.memory_space<vmem>>, vector<128x128xf32>,
      %broadcast_in_dim3A_20 = arith.constant 0.000000e+00 : f32
      %broadcast_in_dim3A_21 = vector.broadcast %broadcast_in_dim3A_20 : f32 to vector<1x128x32xf32>
      %swap3A_22 = arith.constant 0 : index
      %swap3A_23 = arith.constant 0 : index
      %swap3A_24 = arith.constant 0 : index
      %swap3A_25 = vector.load %arg6[%swap3A_22, %swap3A_23, %swap3A_24] : memref<1x128x32xf32, #tpu.memory_space<vmem>>, vector<1x128x32xf32>
      tpu.vector_store %arg6[%swap3A_22, %swap3A_23, %swap3A_24], %broadcast_in_dim3A_21 {strides = array<i32>} : memref<1x128x32xf32, #tpu.memory_space<vmem>>, vector<1x128x32xf32>,
    } else {
    }
    %get3A = arith.constant 0 : index
    %get3A_2 = arith.constant 0 : index
    %get3A_3 = vector.load %arg7[%get3A, %get3A_2] : memref<128x128xf32, #tpu.memory_space<vmem>>, vector<128x128xf32>
    %slice3A = vector.extract_strided_slice %get3A_3 {offsets = [0, 0], sizes = [128, 1], strides = [1, 1]} : vector<128x128xf32> to vector<128x1xf32>
    %reduce_min3A = vector.shape_cast %slice3A : vector<128x1xf32> to vector<1x128x1xf32>
    %reduce_min3A_4 = arith.constant dense<0x7F800000> : vector<1xf32>
    %reduce_min3A_5 = vector.multi_reduction <minimumf>, %reduce_min3A, %reduce_min3A_4 [1, 2] : vector<1x128x1xf32> to vector<1xf32>
    %reduce_min3A_6 = vector.shape_cast %reduce_min3A_5 : vector<1xf32> to vector<1x1x1xf32>
    %reduce_min3A_7 = vector.extract %reduce_min3A_6[0, 0, 0] : f32 from vector<1x1x1xf32>
    %lt3A = arith.constant 3.200000e+01 : f32
    %lt3A_8 = arith.cmpf olt, %reduce_min3A_7, %lt3A : f32
    %convert_element_type3A_9 = arith.extui %lt3A_8 : i1 to i32
    %cond3A_10 = arith.constant 0 : i32
    %cond3A_11 = arith.cmpi ne, %convert_element_type3A_9, %cond3A_10 : i32
    scf.if %cond3A_11 {
      %get3A_17 = arith.constant 0 : index
      %get3A_18 = arith.constant 0 : index
      %get3A_19 = arith.constant 0 : index
      %get3A_20 = vector.load %arg3[%get3A_17, %get3A_18, %get3A_19] : memref<1x128x3xf32, #tpu.memory_space<vmem>>, vector<1x128x3xf32>
      %get3A_21 = vector.shape_cast %get3A_20 : vector<1x128x3xf32> to vector<128x3xf32>
      %get3A_22 = arith.constant 0 : index
      %get3A_23 = arith.constant 0 : index
      %get3A_24 = arith.constant 0 : index
      %get3A_25 = vector.load %arg4[%get3A_22, %get3A_23, %get3A_24] : memref<1x3x512xf32, #tpu.memory_space<vmem>>, vector<1x3x512xf32>
      %get3A_26 = vector.shape_cast %get3A_25 : vector<1x3x512xf32> to vector<3x512xf32>
      %slice3A_27 = vector.extract_strided_slice %get3A_21 {offsets = [0, 0], sizes = [128, 1], strides = [1, 1]} : vector<128x3xf32> to vector<128x1xf32>
      %slice3A_28 = vector.extract_strided_slice %get3A_26 {offsets = [0, 0], sizes = [1, 512], strides = [1, 1]} : vector<3x512xf32> to vector<1x512xf32>
      %sub3A = vector.broadcast %slice3A_27 : vector<128x1xf32> to vector<128x512xf32>
      %sub3A_29 = vector.broadcast %slice3A_28 : vector<1x512xf32> to vector<128x512xf32>
      %sub3A_30 = arith.subf %sub3A, %sub3A_29 : vector<128x512xf32>
      %slice3A_31 = vector.extract_strided_slice %get3A_21 {offsets = [0, 1], sizes = [128, 1], strides = [1, 1]} : vector<128x3xf32> to vector<128x1xf32>
      %slice3A_32 = vector.extract_strided_slice %get3A_26 {offsets = [1, 0], sizes = [1, 512], strides = [1, 1]} : vector<3x512xf32> to vector<1x512xf32>
      %sub3A_33 = vector.broadcast %slice3A_31 : vector<128x1xf32> to vector<128x512xf32>
      %sub3A_34 = vector.broadcast %slice3A_32 : vector<1x512xf32> to vector<128x512xf32>
      %sub3A_35 = arith.subf %sub3A_33, %sub3A_34 : vector<128x512xf32>
      %slice3A_36 = vector.extract_strided_slice %get3A_21 {offsets = [0, 2], sizes = [128, 1], strides = [1, 1]} : vector<128x3xf32> to vector<128x1xf32>
      %slice3A_37 = vector.extract_strided_slice %get3A_26 {offsets = [2, 0], sizes = [1, 512], strides = [1, 1]} : vector<3x512xf32> to vector<1x512xf32>
      %sub3A_38 = vector.broadcast %slice3A_36 : vector<128x1xf32> to vector<128x512xf32>
      %sub3A_39 = vector.broadcast %slice3A_37 : vector<1x512xf32> to vector<128x512xf32>
      %sub3A_40 = arith.subf %sub3A_38, %sub3A_39 : vector<128x512xf32>
      %mul3A = arith.mulf %sub3A_30, %sub3A_30 : vector<128x512xf32>
      %mul3A_41 = arith.mulf %sub3A_35, %sub3A_35 : vector<128x512xf32>
      %add3A = arith.addf %mul3A, %mul3A_41 : vector<128x512xf32>
      %mul3A_42 = arith.mulf %sub3A_40, %sub3A_40 : vector<128x512xf32>
      %add3A_43 = arith.addf %add3A, %mul3A_42 : vector<128x512xf32>
      %lt3A_44 = arith.constant 2.250000e-02 : f32
      %lt3A_45 = vector.broadcast %lt3A_44 : f32 to vector<128x512xf32>
      %lt3A_46 = arith.cmpf olt, %add3A_43, %lt3A_45 : vector<128x512xf32>
      %jit3A = arith.constant 1.000000e+00 : f32
      %jit3A_47 = arith.constant 0.000000e+00 : f32
      %broadcast_in_dim3A = vector.broadcast %jit3A : f32 to vector<128x512xf32>
      %broadcast_in_dim3A_48 = vector.broadcast %jit3A_47 : f32 to vector<128x512xf32>
      %select_n3A = arith.select %lt3A_46, %broadcast_in_dim3A, %broadcast_in_dim3A_48 : vector<128x512xi1>, vector<128x512xf32>
      %reduce_sum3A = arith.constant dense<0.000000e+00> : vector<128xf32>
      %reduce_sum3A_49 = vector.multi_reduction <add>, %select_n3A, %reduce_sum3A [1] : vector<128x512xf32> to vector<128xf32>
      %broadcast_in_dim3A_50 = vector.shape_cast %reduce_sum3A_49 : vector<128xf32> to vector<128x1xf32>
      %lt3A_51 = arith.constant 3.200000e+01 : f32
      %lt3A_52 = vector.broadcast %lt3A_51 : f32 to vector<128x1xf32>
      %lt3A_53 = arith.cmpf olt, %slice3A, %lt3A_52 : vector<128x1xf32>
      %jit3A_54 = arith.constant 0.000000e+00 : f32
      %broadcast_in_dim3A_55 = vector.broadcast %jit3A_54 : f32 to vector<128x1xf32>
      %select_n3A_56 = arith.select %lt3A_53, %broadcast_in_dim3A_50, %broadcast_in_dim3A_55 : vector<128x1xi1>, vector<128x1xf32>
      %reduce_sum3A_57 = vector.shape_cast %select_n3A_56 : vector<128x1xf32> to vector<1x128x1xf32>
      %reduce_sum3A_58 = arith.constant dense<0.000000e+00> : vector<1xf32>
      %reduce_sum3A_59 = vector.multi_reduction <add>, %reduce_sum3A_57, %reduce_sum3A_58 [1, 2] : vector<1x128x1xf32> to vector<1xf32>
      %reduce_sum3A_60 = vector.shape_cast %reduce_sum3A_59 : vector<1xf32> to vector<1x1x1xf32>
      %reduce_sum3A_61 = vector.extract %reduce_sum3A_60[0, 0, 0] : f32 from vector<1x1x1xf32>
      %gt3A = arith.constant 0.000000e+00 : f32
      %gt3A_62 = arith.cmpf ogt, %reduce_sum3A_61, %gt3A : f32
      %convert_element_type3A_63 = arith.extui %gt3A_62 : i1 to i32
      %cond3A_64 = arith.constant 0 : i32
      %cond3A_65 = arith.cmpi ne, %convert_element_type3A_63, %cond3A_64 : i32
      scf.if %cond3A_65 {
        %convert_element_type3A_73 = arith.truncf %select_n3A : vector<128x512xf32> to vector<128x512xbf16>
        %get3A_74 = arith.constant 0 : index
        %get3A_75 = arith.constant 0 : index
        %get3A_76 = vector.load %arg5[%get3A_74, %get3A_75] : memref<512x512xbf16, #tpu.memory_space<vmem>>, vector<512x512xbf16>
        %dot_general3A = arith.constant dense<0.000000e+00> : vector<128x512xf32>
        %dot_general3A_77 = tpu.matmul %convert_element_type3A_73, %get3A_76, %dot_general3A {dimension_numbers = #tpu.dot_dimension_numbers<[1], [0], [0], [1], [0, 0, 1, 1], [], []>, transpose_lhs_hint = false} : vector<128x512xbf16>, vector<512x512xbf16>, vector<128x512xf32> -> vector<128x512xf32>
        %add3A_78 = vector.broadcast %slice3A : vector<128x1xf32> to vector<128x512xf32>
        %add3A_79 = arith.addf %dot_general3A_77, %add3A_78 : vector<128x512xf32>
        %jit3A_80 = arith.constant 0.000000e+00 : f32
        %broadcast_in_dim3A_81 = vector.broadcast %jit3A_80 : f32 to vector<128x512xf32>
        %select_n3A_82 = arith.select %lt3A_46, %add3A_79, %broadcast_in_dim3A_81 : vector<128x512xi1>, vector<128x512xf32>
        %iota3A = tpu.iota {dimensions = array<i32: 1>} : vector<128x512xi32>
        %convert_element_type3A_83 = arith.sitofp %iota3A : vector<128x512xi32> to vector<128x512xf32>
        %mul3A_84 = arith.constant 512 : i32
        %mul3A_85 = arith.muli %arg2, %mul3A_84 : i32
        %mul3A_86 = arith.constant 8192 : i32
        %mul3A_87 = arith.muli %arg0, %mul3A_86 : i32
        %add3A_88 = arith.addi %mul3A_85, %mul3A_87 : i32
        %convert_element_type3A_89 = arith.sitofp %add3A_88 : i32 to f32
        %add3A_90 = vector.broadcast %convert_element_type3A_89 : f32 to vector<128x512xf32>
        %add3A_91 = arith.addf %convert_element_type3A_83, %add3A_90 : vector<128x512xf32>
        %broadcast_in_dim3A_92 = arith.constant 0.000000e+00 : f32
        %broadcast_in_dim3A_93 = vector.broadcast %broadcast_in_dim3A_92 : f32 to vector<128x32xf32>
        %iota3A_94 = tpu.iota {dimensions = array<i32: 1>} : vector<1x32xi32>
        %eq3A_95 = arith.constant 1.000000e+00 : f32
        %eq3A_96 = vector.broadcast %eq3A_95 : f32 to vector<128x512xf32>
        %eq3A_97 = arith.cmpf oeq, %select_n3A_82, %eq3A_96 : vector<128x512xf32>
        %jit3A_98 = arith.constant 0.000000e+00 : f32
        %broadcast_in_dim3A_99 = vector.broadcast %jit3A_98 : f32 to vector<128x512xf32>
        %select_n3A_100 = arith.select %eq3A_97, %add3A_91, %broadcast_in_dim3A_99 : vector<128x512xi1>, vector<128x512xf32>
        %reduce_sum3A_101 = arith.constant dense<0.000000e+00> : vector<128xf32>
        %reduce_sum3A_102 = vector.multi_reduction <add>, %select_n3A_100, %reduce_sum3A_101 [1] : vector<128x512xf32> to vector<128xf32>
        %broadcast_in_dim3A_103 = vector.shape_cast %reduce_sum3A_102 : vector<128xf32> to vector<128x1xf32>
        %eq3A_104 = arith.constant 0 : i32
        %eq3A_105 = vector.broadcast %eq3A_104 : i32 to vector<1x32xi32>
        %eq3A_106 = arith.cmpi eq, %iota3A_94, %eq3A_105 : vector<1x32xi32>
        %jit3A_107 = arith.constant 1.000000e+00 : f32
        %jit3A_108 = arith.constant 0.000000e+00 : f32
        %broadcast_in_dim3A_109 = vector.broadcast %jit3A_107 : f32 to vector<1x32xf32>
        %broadcast_in_dim3A_110 = vector.broadcast %jit3A_108 : f32 to vector<1x32xf32>
        %select_n3A_111 = arith.select %eq3A_106, %broadcast_in_dim3A_109, %broadcast_in_dim3A_110 : vector<1x32xi1>, vector<1x32xf32>
        %mul3A_112 = vector.broadcast %broadcast_in_dim3A_103 : vector<128x1xf32> to vector<128x32xf32>
        %mul3A_113 = vector.broadcast %select_n3A_111 : vector<1x32xf32> to vector<128x32xf32>
        %mul3A_114 = arith.mulf %mul3A_112, %mul3A_113 : vector<128x32xf32>
        %add3A_115 = arith.addf %broadcast_in_dim3A_93, %mul3A_114 : vector<128x32xf32>
        %eq3A_116 = arith.constant 2.000000e+00 : f32
        %eq3A_117 = vector.broadcast %eq3A_116 : f32 to vector<128x512xf32>
        %eq3A_118 = arith.cmpf oeq, %select_n3A_82, %eq3A_117 : vector<128x512xf32>
        %jit3A_119 = arith.constant 0.000000e+00 : f32
        %broadcast_in_dim3A_120 = vector.broadcast %jit3A_119 : f32 to vector<128x512xf32>
        %select_n3A_121 = arith.select %eq3A_118, %add3A_91, %broadcast_in_dim3A_120 : vector<128x512xi1>, vector<128x512xf32>
        %reduce_sum3A_122 = arith.constant dense<0.000000e+00> : vector<128xf32>
        %reduce_sum3A_123 = vector.multi_reduction <add>, %select_n3A_121, %reduce_sum3A_122 [1] : vector<128x512xf32> to vector<128xf32>
        %broadcast_in_dim3A_124 = vector.shape_cast %reduce_sum3A_123 : vector<128xf32> to vector<128x1xf32>
        %eq3A_125 = arith.constant 1 : i32
        %eq3A_126 = vector.broadcast %eq3A_125 : i32 to vector<1x32xi32>
        %eq3A_127 = arith.cmpi eq, %iota3A_94, %eq3A_126 : vector<1x32xi32>
        %jit3A_128 = arith.constant 1.000000e+00 : f32
        %jit3A_129 = arith.constant 0.000000e+00 : f32
        %broadcast_in_dim3A_130 = vector.broadcast %jit3A_128 : f32 to vector<1x32xf32>
        %broadcast_in_dim3A_131 = vector.broadcast %jit3A_129 : f32 to vector<1x32xf32>
        %select_n3A_132 = arith.select %eq3A_127, %broadcast_in_dim3A_130, %broadcast_in_dim3A_131 : vector<1x32xi1>, vector<1x32xf32>
        %mul3A_133 = vector.broadcast %broadcast_in_dim3A_124 : vector<128x1xf32> to vector<128x32xf32>
        %mul3A_134 = vector.broadcast %select_n3A_132 : vector<1x32xf32> to vector<128x32xf32>
        %mul3A_135 = arith.mulf %mul3A_133, %mul3A_134 : vector<128x32xf32>
        %add3A_136 = arith.addf %add3A_115, %mul3A_135 : vector<128x32xf32>
        %eq3A_137 = arith.constant 3.000000e+00 : f32
        %eq3A_138 = vector.broadcast %eq3A_137 : f32 to vector<128x512xf32>
        %eq3A_139 = arith.cmpf oeq, %select_n3A_82, %eq3A_138 : vector<128x512xf32>
        %jit3A_140 = arith.constant 0.000000e+00 : f32
        %broadcast_in_dim3A_141 = vector.broadcast %jit3A_140 : f32 to vector<128x512xf32>
        %select_n3A_142 = arith.select %eq3A_139, %add3A_91, %broadcast_in_dim3A_141 : vector<128x512xi1>, vector<128x512xf32>
        %reduce_sum3A_143 = arith.constant dense<0.000000e+00> : vector<128xf32>
        %reduce_sum3A_144 = vector.multi_reduction <add>, %select_n3A_142, %reduce_sum3A_143 [1] : vector<128x512xf32> to vector<128xf32>
        %broadcast_in_dim3A_145 = vector.shape_cast %reduce_sum3A_144 : vector<128xf32> to vector<128x1xf32>
        %eq3A_146 = arith.constant 2 : i32
        %eq3A_147 = vector.broadcast %eq3A_146 : i32 to vector<1x32xi32>
        %eq3A_148 = arith.cmpi eq, %iota3A_94, %eq3A_147 : vector<1x32xi32>
        %jit3A_149 = arith.constant 1.000000e+00 : f32
        %jit3A_150 = arith.constant 0.000000e+00 : f32
        %broadcast_in_dim3A_151 = vector.broadcast %jit3A_149 : f32 to vector<1x32xf32>
        %broadcast_in_dim3A_152 = vector.broadcast %jit3A_150 : f32 to vector<1x32xf32>
        %select_n3A_153 = arith.select %eq3A_148, %broadcast_in_dim3A_151, %broadcast_in_dim3A_152 : vector<1x32xi1>, vector<1x32xf32>
        %mul3A_154 = vector.broadcast %broadcast_in_dim3A_145 : vector<128x1xf32> to vector<128x32xf32>
        %mul3A_155 = vector.broadcast %select_n3A_153 : vector<1x32xf32> to vector<128x32xf32>
        %mul3A_156 = arith.mulf %mul3A_154, %mul3A_155 : vector<128x32xf32>
        %add3A_157 = arith.addf %add3A_136, %mul3A_156 : vector<128x32xf32>
        %eq3A_158 = arith.constant 4.000000e+00 : f32
        %eq3A_159 = vector.broadcast %eq3A_158 : f32 to vector<128x512xf32>
        %eq3A_160 = arith.cmpf oeq, %select_n3A_82, %eq3A_159 : vector<128x512xf32>
        %jit3A_161 = arith.constant 0.000000e+00 : f32
        %broadcast_in_dim3A_162 = vector.broadcast %jit3A_161 : f32 to vector<128x512xf32>
        %select_n3A_163 = arith.select %eq3A_160, %add3A_91, %broadcast_in_dim3A_162 : vector<128x512xi1>, vector<128x512xf32>
        %reduce_sum3A_164 = arith.constant dense<0.000000e+00> : vector<128xf32>
        %reduce_sum3A_165 = vector.multi_reduction <add>, %select_n3A_163, %reduce_sum3A_164 [1] : vector<128x512xf32> to vector<128xf32>
        %broadcast_in_dim3A_166 = vector.shape_cast %reduce_sum3A_165 : vector<128xf32> to vector<128x1xf32>
        %eq3A_167 = arith.constant 3 : i32
        %eq3A_168 = vector.broadcast %eq3A_167 : i32 to vector<1x32xi32>
        %eq3A_169 = arith.cmpi eq, %iota3A_94, %eq3A_168 : vector<1x32xi32>
        %jit3A_170 = arith.constant 1.000000e+00 : f32
        %jit3A_171 = arith.constant 0.000000e+00 : f32
        %broadcast_in_dim3A_172 = vector.broadcast %jit3A_170 : f32 to vector<1x32xf32>
        %broadcast_in_dim3A_173 = vector.broadcast %jit3A_171 : f32 to vector<1x32xf32>
        %select_n3A_174 = arith.select %eq3A_169, %broadcast_in_dim3A_172, %broadcast_in_dim3A_173 : vector<1x32xi1>, vector<1x32xf32>
        %mul3A_175 = vector.broadcast %broadcast_in_dim3A_166 : vector<128x1xf32> to vector<128x32xf32>
        %mul3A_176 = vector.broadcast %select_n3A_174 : vector<1x32xf32> to vector<128x32xf32>
        %mul3A_177 = arith.mulf %mul3A_175, %mul3A_176 : vector<128x32xf32>
        %add3A_178 = arith.addf %add3A_157, %mul3A_177 : vector<128x32xf32>
        %eq3A_179 = arith.constant 5.000000e+00 : f32
        %eq3A_180 = vector.broadcast %eq3A_179 : f32 to vector<128x512xf32>
        %eq3A_181 = arith.cmpf oeq, %select_n3A_82, %eq3A_180 : vector<128x512xf32>
        %jit3A_182 = arith.constant 0.000000e+00 : f32
        %broadcast_in_dim3A_183 = vector.broadcast %jit3A_182 : f32 to vector<128x512xf32>
        %select_n3A_184 = arith.select %eq3A_181, %add3A_91, %broadcast_in_dim3A_183 : vector<128x512xi1>, vector<128x512xf32>
        %reduce_sum3A_185 = arith.constant dense<0.000000e+00> : vector<128xf32>
        %reduce_sum3A_186 = vector.multi_reduction <add>, %select_n3A_184, %reduce_sum3A_185 [1] : vector<128x512xf32> to vector<128xf32>
        %broadcast_in_dim3A_187 = vector.shape_cast %reduce_sum3A_186 : vector<128xf32> to vector<128x1xf32>
        %eq3A_188 = arith.constant 4 : i32
        %eq3A_189 = vector.broadcast %eq3A_188 : i32 to vector<1x32xi32>
        %eq3A_190 = arith.cmpi eq, %iota3A_94, %eq3A_189 : vector<1x32xi32>
        %jit3A_191 = arith.constant 1.000000e+00 : f32
        %jit3A_192 = arith.constant 0.000000e+00 : f32
        %broadcast_in_dim3A_193 = vector.broadcast %jit3A_191 : f32 to vector<1x32xf32>
        %broadcast_in_dim3A_194 = vector.broadcast %jit3A_192 : f32 to vector<1x32xf32>
        %select_n3A_195 = arith.select %eq3A_190, %broadcast_in_dim3A_193, %broadcast_in_dim3A_194 : vector<1x32xi1>, vector<1x32xf32>
        %mul3A_196 = vector.broadcast %broadcast_in_dim3A_187 : vector<128x1xf32> to vector<128x32xf32>
        %mul3A_197 = vector.broadcast %select_n3A_195 : vector<1x32xf32> to vector<128x32xf32>
        %mul3A_198 = arith.mulf %mul3A_196, %mul3A_197 : vector<128x32xf32>
        %add3A_199 = arith.addf %add3A_178, %mul3A_198 : vector<128x32xf32>
        %eq3A_200 = arith.constant 6.000000e+00 : f32
        %eq3A_201 = vector.broadcast %eq3A_200 : f32 to vector<128x512xf32>
        %eq3A_202 = arith.cmpf oeq, %select_n3A_82, %eq3A_201 : vector<128x512xf32>
        %jit3A_203 = arith.constant 0.000000e+00 : f32
        %broadcast_in_dim3A_204 = vector.broadcast %jit3A_203 : f32 to vector<128x512xf32>
        %select_n3A_205 = arith.select %eq3A_202, %add3A_91, %broadcast_in_dim3A_204 : vector<128x512xi1>, vector<128x512xf32>
        %reduce_sum3A_206 = arith.constant dense<0.000000e+00> : vector<128xf32>
        %reduce_sum3A_207 = vector.multi_reduction <add>, %select_n3A_205, %reduce_sum3A_206 [1] : vector<128x512xf32> to vector<128xf32>
        %broadcast_in_dim3A_208 = vector.shape_cast %reduce_sum3A_207 : vector<128xf32> to vector<128x1xf32>
        %eq3A_209 = arith.constant 5 : i32
        %eq3A_210 = vector.broadcast %eq3A_209 : i32 to vector<1x32xi32>
        %eq3A_211 = arith.cmpi eq, %iota3A_94, %eq3A_210 : vector<1x32xi32>
        %jit3A_212 = arith.constant 1.000000e+00 : f32
        %jit3A_213 = arith.constant 0.000000e+00 : f32
        %broadcast_in_dim3A_214 = vector.broadcast %jit3A_212 : f32 to vector<1x32xf32>
        %broadcast_in_dim3A_215 = vector.broadcast %jit3A_213 : f32 to vector<1x32xf32>
        %select_n3A_216 = arith.select %eq3A_211, %broadcast_in_dim3A_214, %broadcast_in_dim3A_215 : vector<1x32xi1>, vector<1x32xf32>
        %mul3A_217 = vector.broadcast %broadcast_in_dim3A_208 : vector<128x1xf32> to vector<128x32xf32>
        %mul3A_218 = vector.broadcast %select_n3A_216 : vector<1x32xf32> to vector<128x32xf32>
        %mul3A_219 = arith.mulf %mul3A_217, %mul3A_218 : vector<128x32xf32>
        %add3A_220 = arith.addf %add3A_199, %mul3A_219 : vector<128x32xf32>
        %eq3A_221 = arith.constant 7.000000e+00 : f32
        %eq3A_222 = vector.broadcast %eq3A_221 : f32 to vector<128x512xf32>
        %eq3A_223 = arith.cmpf oeq, %select_n3A_82, %eq3A_222 : vector<128x512xf32>
        %jit3A_224 = arith.constant 0.000000e+00 : f32
        %broadcast_in_dim3A_225 = vector.broadcast %jit3A_224 : f32 to vector<128x512xf32>
        %select_n3A_226 = arith.select %eq3A_223, %add3A_91, %broadcast_in_dim3A_225 : vector<128x512xi1>, vector<128x512xf32>
        %reduce_sum3A_227 = arith.constant dense<0.000000e+00> : vector<128xf32>
        %reduce_sum3A_228 = vector.multi_reduction <add>, %select_n3A_226, %reduce_sum3A_227 [1] : vector<128x512xf32> to vector<128xf32>
        %broadcast_in_dim3A_229 = vector.shape_cast %reduce_sum3A_228 : vector<128xf32> to vector<128x1xf32>
        %eq3A_230 = arith.constant 6 : i32
        %eq3A_231 = vector.broadcast %eq3A_230 : i32 to vector<1x32xi32>
        %eq3A_232 = arith.cmpi eq, %iota3A_94, %eq3A_231 : vector<1x32xi32>
        %jit3A_233 = arith.constant 1.000000e+00 : f32
        %jit3A_234 = arith.constant 0.000000e+00 : f32
        %broadcast_in_dim3A_235 = vector.broadcast %jit3A_233 : f32 to vector<1x32xf32>
        %broadcast_in_dim3A_236 = vector.broadcast %jit3A_234 : f32 to vector<1x32xf32>
        %select_n3A_237 = arith.select %eq3A_232, %broadcast_in_dim3A_235, %broadcast_in_dim3A_236 : vector<1x32xi1>, vector<1x32xf32>
        %mul3A_238 = vector.broadcast %broadcast_in_dim3A_229 : vector<128x1xf32> to vector<128x32xf32>
        %mul3A_239 = vector.broadcast %select_n3A_237 : vector<1x32xf32> to vector<128x32xf32>
        %mul3A_240 = arith.mulf %mul3A_238, %mul3A_239 : vector<128x32xf32>
        %add3A_241 = arith.addf %add3A_220, %mul3A_240 : vector<128x32xf32>
        %eq3A_242 = arith.constant 8.000000e+00 : f32
        %eq3A_243 = vector.broadcast %eq3A_242 : f32 to vector<128x512xf32>
        %eq3A_244 = arith.cmpf oeq, %select_n3A_82, %eq3A_243 : vector<128x512xf32>
        %jit3A_245 = arith.constant 0.000000e+00 : f32
        %broadcast_in_dim3A_246 = vector.broadcast %jit3A_245 : f32 to vector<128x512xf32>
        %select_n3A_247 = arith.select %eq3A_244, %add3A_91, %broadcast_in_dim3A_246 : vector<128x512xi1>, vector<128x512xf32>
        %reduce_sum3A_248 = arith.constant dense<0.000000e+00> : vector<128xf32>
        %reduce_sum3A_249 = vector.multi_reduction <add>, %select_n3A_247, %reduce_sum3A_248 [1] : vector<128x512xf32> to vector<128xf32>
        %broadcast_in_dim3A_250 = vector.shape_cast %reduce_sum3A_249 : vector<128xf32> to vector<128x1xf32>
        %eq3A_251 = arith.constant 7 : i32
        %eq3A_252 = vector.broadcast %eq3A_251 : i32 to vector<1x32xi32>
        %eq3A_253 = arith.cmpi eq, %iota3A_94, %eq3A_252 : vector<1x32xi32>
        %jit3A_254 = arith.constant 1.000000e+00 : f32
        %jit3A_255 = arith.constant 0.000000e+00 : f32
        %broadcast_in_dim3A_256 = vector.broadcast %jit3A_254 : f32 to vector<1x32xf32>
        %broadcast_in_dim3A_257 = vector.broadcast %jit3A_255 : f32 to vector<1x32xf32>
        %select_n3A_258 = arith.select %eq3A_253, %broadcast_in_dim3A_256, %broadcast_in_dim3A_257 : vector<1x32xi1>, vector<1x32xf32>
        %mul3A_259 = vector.broadcast %broadcast_in_dim3A_250 : vector<128x1xf32> to vector<128x32xf32>
        %mul3A_260 = vector.broadcast %select_n3A_258 : vector<1x32xf32> to vector<128x32xf32>
        %mul3A_261 = arith.mulf %mul3A_259, %mul3A_260 : vector<128x32xf32>
        %add3A_262 = arith.addf %add3A_241, %mul3A_261 : vector<128x32xf32>
        %eq3A_263 = arith.constant 9.000000e+00 : f32
        %eq3A_264 = vector.broadcast %eq3A_263 : f32 to vector<128x512xf32>
        %eq3A_265 = arith.cmpf oeq, %select_n3A_82, %eq3A_264 : vector<128x512xf32>
        %jit3A_266 = arith.constant 0.000000e+00 : f32
        %broadcast_in_dim3A_267 = vector.broadcast %jit3A_266 : f32 to vector<128x512xf32>
        %select_n3A_268 = arith.select %eq3A_265, %add3A_91, %broadcast_in_dim3A_267 : vector<128x512xi1>, vector<128x512xf32>
        %reduce_sum3A_269 = arith.constant dense<0.000000e+00> : vector<128xf32>
        %reduce_sum3A_270 = vector.multi_reduction <add>, %select_n3A_268, %reduce_sum3A_269 [1] : vector<128x512xf32> to vector<128xf32>
        %broadcast_in_dim3A_271 = vector.shape_cast %reduce_sum3A_270 : vector<128xf32> to vector<128x1xf32>
        %eq3A_272 = arith.constant 8 : i32
        %eq3A_273 = vector.broadcast %eq3A_272 : i32 to vector<1x32xi32>
        %eq3A_274 = arith.cmpi eq, %iota3A_94, %eq3A_273 : vector<1x32xi32>
        %jit3A_275 = arith.constant 1.000000e+00 : f32
        %jit3A_276 = arith.constant 0.000000e+00 : f32
        %broadcast_in_dim3A_277 = vector.broadcast %jit3A_275 : f32 to vector<1x32xf32>
        %broadcast_in_dim3A_278 = vector.broadcast %jit3A_276 : f32 to vector<1x32xf32>
        %select_n3A_279 = arith.select %eq3A_274, %broadcast_in_dim3A_277, %broadcast_in_dim3A_278 : vector<1x32xi1>, vector<1x32xf32>
        %mul3A_280 = vector.broadcast %broadcast_in_dim3A_271 : vector<128x1xf32> to vector<128x32xf32>
        %mul3A_281 = vector.broadcast %select_n3A_279 : vector<1x32xf32> to vector<128x32xf32>
        %mul3A_282 = arith.mulf %mul3A_280, %mul3A_281 : vector<128x32xf32>
        %add3A_283 = arith.addf %add3A_262, %mul3A_282 : vector<128x32xf32>
        %eq3A_284 = arith.constant 1.000000e+01 : f32
        %eq3A_285 = vector.broadcast %eq3A_284 : f32 to vector<128x512xf32>
        %eq3A_286 = arith.cmpf oeq, %select_n3A_82, %eq3A_285 : vector<128x512xf32>
        %jit3A_287 = arith.constant 0.000000e+00 : f32
        %broadcast_in_dim3A_288 = vector.broadcast %jit3A_287 : f32 to vector<128x512xf32>
        %select_n3A_289 = arith.select %eq3A_286, %add3A_91, %broadcast_in_dim3A_288 : vector<128x512xi1>, vector<128x512xf32>
        %reduce_sum3A_290 = arith.constant dense<0.000000e+00> : vector<128xf32>
        %reduce_sum3A_291 = vector.multi_reduction <add>, %select_n3A_289, %reduce_sum3A_290 [1] : vector<128x512xf32> to vector<128xf32>
        %broadcast_in_dim3A_292 = vector.shape_cast %reduce_sum3A_291 : vector<128xf32> to vector<128x1xf32>
        %eq3A_293 = arith.constant 9 : i32
        %eq3A_294 = vector.broadcast %eq3A_293 : i32 to vector<1x32xi32>
        %eq3A_295 = arith.cmpi eq, %iota3A_94, %eq3A_294 : vector<1x32xi32>
        %jit3A_296 = arith.constant 1.000000e+00 : f32
        %jit3A_297 = arith.constant 0.000000e+00 : f32
        %broadcast_in_dim3A_298 = vector.broadcast %jit3A_296 : f32 to vector<1x32xf32>
        %broadcast_in_dim3A_299 = vector.broadcast %jit3A_297 : f32 to vector<1x32xf32>
        %select_n3A_300 = arith.select %eq3A_295, %broadcast_in_dim3A_298, %broadcast_in_dim3A_299 : vector<1x32xi1>, vector<1x32xf32>
        %mul3A_301 = vector.broadcast %broadcast_in_dim3A_292 : vector<128x1xf32> to vector<128x32xf32>
        %mul3A_302 = vector.broadcast %select_n3A_300 : vector<1x32xf32> to vector<128x32xf32>
        %mul3A_303 = arith.mulf %mul3A_301, %mul3A_302 : vector<128x32xf32>
        %add3A_304 = arith.addf %add3A_283, %mul3A_303 : vector<128x32xf32>
        %eq3A_305 = arith.constant 1.100000e+01 : f32
        %eq3A_306 = vector.broadcast %eq3A_305 : f32 to vector<128x512xf32>
        %eq3A_307 = arith.cmpf oeq, %select_n3A_82, %eq3A_306 : vector<128x512xf32>
        %jit3A_308 = arith.constant 0.000000e+00 : f32
        %broadcast_in_dim3A_309 = vector.broadcast %jit3A_308 : f32 to vector<128x512xf32>
        %select_n3A_310 = arith.select %eq3A_307, %add3A_91, %broadcast_in_dim3A_309 : vector<128x512xi1>, vector<128x512xf32>
        %reduce_sum3A_311 = arith.constant dense<0.000000e+00> : vector<128xf32>
        %reduce_sum3A_312 = vector.multi_reduction <add>, %select_n3A_310, %reduce_sum3A_311 [1] : vector<128x512xf32> to vector<128xf32>
        %broadcast_in_dim3A_313 = vector.shape_cast %reduce_sum3A_312 : vector<128xf32> to vector<128x1xf32>
        %eq3A_314 = arith.constant 10 : i32
        %eq3A_315 = vector.broadcast %eq3A_314 : i32 to vector<1x32xi32>
        %eq3A_316 = arith.cmpi eq, %iota3A_94, %eq3A_315 : vector<1x32xi32>
        %jit3A_317 = arith.constant 1.000000e+00 : f32
        %jit3A_318 = arith.constant 0.000000e+00 : f32
        %broadcast_in_dim3A_319 = vector.broadcast %jit3A_317 : f32 to vector<1x32xf32>
        %broadcast_in_dim3A_320 = vector.broadcast %jit3A_318 : f32 to vector<1x32xf32>
        %select_n3A_321 = arith.select %eq3A_316, %broadcast_in_dim3A_319, %broadcast_in_dim3A_320 : vector<1x32xi1>, vector<1x32xf32>
        %mul3A_322 = vector.broadcast %broadcast_in_dim3A_313 : vector<128x1xf32> to vector<128x32xf32>
        %mul3A_323 = vector.broadcast %select_n3A_321 : vector<1x32xf32> to vector<128x32xf32>
        %mul3A_324 = arith.mulf %mul3A_322, %mul3A_323 : vector<128x32xf32>
        %add3A_325 = arith.addf %add3A_304, %mul3A_324 : vector<128x32xf32>
        %eq3A_326 = arith.constant 1.200000e+01 : f32
        %eq3A_327 = vector.broadcast %eq3A_326 : f32 to vector<128x512xf32>
        %eq3A_328 = arith.cmpf oeq, %select_n3A_82, %eq3A_327 : vector<128x512xf32>
        %jit3A_329 = arith.constant 0.000000e+00 : f32
        %broadcast_in_dim3A_330 = vector.broadcast %jit3A_329 : f32 to vector<128x512xf32>
        %select_n3A_331 = arith.select %eq3A_328, %add3A_91, %broadcast_in_dim3A_330 : vector<128x512xi1>, vector<128x512xf32>
        %reduce_sum3A_332 = arith.constant dense<0.000000e+00> : vector<128xf32>
        %reduce_sum3A_333 = vector.multi_reduction <add>, %select_n3A_331, %reduce_sum3A_332 [1] : vector<128x512xf32> to vector<128xf32>
        %broadcast_in_dim3A_334 = vector.shape_cast %reduce_sum3A_333 : vector<128xf32> to vector<128x1xf32>
        %eq3A_335 = arith.constant 11 : i32
        %eq3A_336 = vector.broadcast %eq3A_335 : i32 to vector<1x32xi32>
        %eq3A_337 = arith.cmpi eq, %iota3A_94, %eq3A_336 : vector<1x32xi32>
        %jit3A_338 = arith.constant 1.000000e+00 : f32
        %jit3A_339 = arith.constant 0.000000e+00 : f32
        %broadcast_in_dim3A_340 = vector.broadcast %jit3A_338 : f32 to vector<1x32xf32>
        %broadcast_in_dim3A_341 = vector.broadcast %jit3A_339 : f32 to vector<1x32xf32>
        %select_n3A_342 = arith.select %eq3A_337, %broadcast_in_dim3A_340, %broadcast_in_dim3A_341 : vector<1x32xi1>, vector<1x32xf32>
        %mul3A_343 = vector.broadcast %broadcast_in_dim3A_334 : vector<128x1xf32> to vector<128x32xf32>
        %mul3A_344 = vector.broadcast %select_n3A_342 : vector<1x32xf32> to vector<128x32xf32>
        %mul3A_345 = arith.mulf %mul3A_343, %mul3A_344 : vector<128x32xf32>
        %add3A_346 = arith.addf %add3A_325, %mul3A_345 : vector<128x32xf32>
        %eq3A_347 = arith.constant 1.300000e+01 : f32
        %eq3A_348 = vector.broadcast %eq3A_347 : f32 to vector<128x512xf32>
        %eq3A_349 = arith.cmpf oeq, %select_n3A_82, %eq3A_348 : vector<128x512xf32>
        %jit3A_350 = arith.constant 0.000000e+00 : f32
        %broadcast_in_dim3A_351 = vector.broadcast %jit3A_350 : f32 to vector<128x512xf32>
        %select_n3A_352 = arith.select %eq3A_349, %add3A_91, %broadcast_in_dim3A_351 : vector<128x512xi1>, vector<128x512xf32>
        %reduce_sum3A_353 = arith.constant dense<0.000000e+00> : vector<128xf32>
        %reduce_sum3A_354 = vector.multi_reduction <add>, %select_n3A_352, %reduce_sum3A_353 [1] : vector<128x512xf32> to vector<128xf32>
        %broadcast_in_dim3A_355 = vector.shape_cast %reduce_sum3A_354 : vector<128xf32> to vector<128x1xf32>
        %eq3A_356 = arith.constant 12 : i32
        %eq3A_357 = vector.broadcast %eq3A_356 : i32 to vector<1x32xi32>
        %eq3A_358 = arith.cmpi eq, %iota3A_94, %eq3A_357 : vector<1x32xi32>
        %jit3A_359 = arith.constant 1.000000e+00 : f32
        %jit3A_360 = arith.constant 0.000000e+00 : f32
        %broadcast_in_dim3A_361 = vector.broadcast %jit3A_359 : f32 to vector<1x32xf32>
        %broadcast_in_dim3A_362 = vector.broadcast %jit3A_360 : f32 to vector<1x32xf32>
        %select_n3A_363 = arith.select %eq3A_358, %broadcast_in_dim3A_361, %broadcast_in_dim3A_362 : vector<1x32xi1>, vector<1x32xf32>
        %mul3A_364 = vector.broadcast %broadcast_in_dim3A_355 : vector<128x1xf32> to vector<128x32xf32>
        %mul3A_365 = vector.broadcast %select_n3A_363 : vector<1x32xf32> to vector<128x32xf32>
        %mul3A_366 = arith.mulf %mul3A_364, %mul3A_365 : vector<128x32xf32>
        %add3A_367 = arith.addf %add3A_346, %mul3A_366 : vector<128x32xf32>
        %eq3A_368 = arith.constant 1.400000e+01 : f32
        %eq3A_369 = vector.broadcast %eq3A_368 : f32 to vector<128x512xf32>
        %eq3A_370 = arith.cmpf oeq, %select_n3A_82, %eq3A_369 : vector<128x512xf32>
        %jit3A_371 = arith.constant 0.000000e+00 : f32
        %broadcast_in_dim3A_372 = vector.broadcast %jit3A_371 : f32 to vector<128x512xf32>
        %select_n3A_373 = arith.select %eq3A_370, %add3A_91, %broadcast_in_dim3A_372 : vector<128x512xi1>, vector<128x512xf32>
        %reduce_sum3A_374 = arith.constant dense<0.000000e+00> : vector<128xf32>
        %reduce_sum3A_375 = vector.multi_reduction <add>, %select_n3A_373, %reduce_sum3A_374 [1] : vector<128x512xf32> to vector<128xf32>
        %broadcast_in_dim3A_376 = vector.shape_cast %reduce_sum3A_375 : vector<128xf32> to vector<128x1xf32>
        %eq3A_377 = arith.constant 13 : i32
        %eq3A_378 = vector.broadcast %eq3A_377 : i32 to vector<1x32xi32>
        %eq3A_379 = arith.cmpi eq, %iota3A_94, %eq3A_378 : vector<1x32xi32>
        %jit3A_380 = arith.constant 1.000000e+00 : f32
        %jit3A_381 = arith.constant 0.000000e+00 : f32
        %broadcast_in_dim3A_382 = vector.broadcast %jit3A_380 : f32 to vector<1x32xf32>
        %broadcast_in_dim3A_383 = vector.broadcast %jit3A_381 : f32 to vector<1x32xf32>
        %select_n3A_384 = arith.select %eq3A_379, %broadcast_in_dim3A_382, %broadcast_in_dim3A_383 : vector<1x32xi1>, vector<1x32xf32>
        %mul3A_385 = vector.broadcast %broadcast_in_dim3A_376 : vector<128x1xf32> to vector<128x32xf32>
        %mul3A_386 = vector.broadcast %select_n3A_384 : vector<1x32xf32> to vector<128x32xf32>
        %mul3A_387 = arith.mulf %mul3A_385, %mul3A_386 : vector<128x32xf32>
        %add3A_388 = arith.addf %add3A_367, %mul3A_387 : vector<128x32xf32>
        %eq3A_389 = arith.constant 1.500000e+01 : f32
        %eq3A_390 = vector.broadcast %eq3A_389 : f32 to vector<128x512xf32>
        %eq3A_391 = arith.cmpf oeq, %select_n3A_82, %eq3A_390 : vector<128x512xf32>
        %jit3A_392 = arith.constant 0.000000e+00 : f32
        %broadcast_in_dim3A_393 = vector.broadcast %jit3A_392 : f32 to vector<128x512xf32>
        %select_n3A_394 = arith.select %eq3A_391, %add3A_91, %broadcast_in_dim3A_393 : vector<128x512xi1>, vector<128x512xf32>
        %reduce_sum3A_395 = arith.constant dense<0.000000e+00> : vector<128xf32>
        %reduce_sum3A_396 = vector.multi_reduction <add>, %select_n3A_394, %reduce_sum3A_395 [1] : vector<128x512xf32> to vector<128xf32>
        %broadcast_in_dim3A_397 = vector.shape_cast %reduce_sum3A_396 : vector<128xf32> to vector<128x1xf32>
        %eq3A_398 = arith.constant 14 : i32
        %eq3A_399 = vector.broadcast %eq3A_398 : i32 to vector<1x32xi32>
        %eq3A_400 = arith.cmpi eq, %iota3A_94, %eq3A_399 : vector<1x32xi32>
        %jit3A_401 = arith.constant 1.000000e+00 : f32
        %jit3A_402 = arith.constant 0.000000e+00 : f32
        %broadcast_in_dim3A_403 = vector.broadcast %jit3A_401 : f32 to vector<1x32xf32>
        %broadcast_in_dim3A_404 = vector.broadcast %jit3A_402 : f32 to vector<1x32xf32>
        %select_n3A_405 = arith.select %eq3A_400, %broadcast_in_dim3A_403, %broadcast_in_dim3A_404 : vector<1x32xi1>, vector<1x32xf32>
        %mul3A_406 = vector.broadcast %broadcast_in_dim3A_397 : vector<128x1xf32> to vector<128x32xf32>
        %mul3A_407 = vector.broadcast %select_n3A_405 : vector<1x32xf32> to vector<128x32xf32>
        %mul3A_408 = arith.mulf %mul3A_406, %mul3A_407 : vector<128x32xf32>
        %add3A_409 = arith.addf %add3A_388, %mul3A_408 : vector<128x32xf32>
        %eq3A_410 = arith.constant 1.600000e+01 : f32
        %eq3A_411 = vector.broadcast %eq3A_410 : f32 to vector<128x512xf32>
        %eq3A_412 = arith.cmpf oeq, %select_n3A_82, %eq3A_411 : vector<128x512xf32>
        %jit3A_413 = arith.constant 0.000000e+00 : f32
        %broadcast_in_dim3A_414 = vector.broadcast %jit3A_413 : f32 to vector<128x512xf32>
        %select_n3A_415 = arith.select %eq3A_412, %add3A_91, %broadcast_in_dim3A_414 : vector<128x512xi1>, vector<128x512xf32>
        %reduce_sum3A_416 = arith.constant dense<0.000000e+00> : vector<128xf32>
        %reduce_sum3A_417 = vector.multi_reduction <add>, %select_n3A_415, %reduce_sum3A_416 [1] : vector<128x512xf32> to vector<128xf32>
        %broadcast_in_dim3A_418 = vector.shape_cast %reduce_sum3A_417 : vector<128xf32> to vector<128x1xf32>
        %eq3A_419 = arith.constant 15 : i32
        %eq3A_420 = vector.broadcast %eq3A_419 : i32 to vector<1x32xi32>
        %eq3A_421 = arith.cmpi eq, %iota3A_94, %eq3A_420 : vector<1x32xi32>
        %jit3A_422 = arith.constant 1.000000e+00 : f32
        %jit3A_423 = arith.constant 0.000000e+00 : f32
        %broadcast_in_dim3A_424 = vector.broadcast %jit3A_422 : f32 to vector<1x32xf32>
        %broadcast_in_dim3A_425 = vector.broadcast %jit3A_423 : f32 to vector<1x32xf32>
        %select_n3A_426 = arith.select %eq3A_421, %broadcast_in_dim3A_424, %broadcast_in_dim3A_425 : vector<1x32xi1>, vector<1x32xf32>
        %mul3A_427 = vector.broadcast %broadcast_in_dim3A_418 : vector<128x1xf32> to vector<128x32xf32>
        %mul3A_428 = vector.broadcast %select_n3A_426 : vector<1x32xf32> to vector<128x32xf32>
        %mul3A_429 = arith.mulf %mul3A_427, %mul3A_428 : vector<128x32xf32>
        %add3A_430 = arith.addf %add3A_409, %mul3A_429 : vector<128x32xf32>
        %eq3A_431 = arith.constant 1.700000e+01 : f32
        %eq3A_432 = vector.broadcast %eq3A_431 : f32 to vector<128x512xf32>
        %eq3A_433 = arith.cmpf oeq, %select_n3A_82, %eq3A_432 : vector<128x512xf32>
        %jit3A_434 = arith.constant 0.000000e+00 : f32
        %broadcast_in_dim3A_435 = vector.broadcast %jit3A_434 : f32 to vector<128x512xf32>
        %select_n3A_436 = arith.select %eq3A_433, %add3A_91, %broadcast_in_dim3A_435 : vector<128x512xi1>, vector<128x512xf32>
        %reduce_sum3A_437 = arith.constant dense<0.000000e+00> : vector<128xf32>
        %reduce_sum3A_438 = vector.multi_reduction <add>, %select_n3A_436, %reduce_sum3A_437 [1] : vector<128x512xf32> to vector<128xf32>
        %broadcast_in_dim3A_439 = vector.shape_cast %reduce_sum3A_438 : vector<128xf32> to vector<128x1xf32>
        %eq3A_440 = arith.constant 16 : i32
        %eq3A_441 = vector.broadcast %eq3A_440 : i32 to vector<1x32xi32>
        %eq3A_442 = arith.cmpi eq, %iota3A_94, %eq3A_441 : vector<1x32xi32>
        %jit3A_443 = arith.constant 1.000000e+00 : f32
        %jit3A_444 = arith.constant 0.000000e+00 : f32
        %broadcast_in_dim3A_445 = vector.broadcast %jit3A_443 : f32 to vector<1x32xf32>
        %broadcast_in_dim3A_446 = vector.broadcast %jit3A_444 : f32 to vector<1x32xf32>
        %select_n3A_447 = arith.select %eq3A_442, %broadcast_in_dim3A_445, %broadcast_in_dim3A_446 : vector<1x32xi1>, vector<1x32xf32>
        %mul3A_448 = vector.broadcast %broadcast_in_dim3A_439 : vector<128x1xf32> to vector<128x32xf32>
        %mul3A_449 = vector.broadcast %select_n3A_447 : vector<1x32xf32> to vector<128x32xf32>
        %mul3A_450 = arith.mulf %mul3A_448, %mul3A_449 : vector<128x32xf32>
        %add3A_451 = arith.addf %add3A_430, %mul3A_450 : vector<128x32xf32>
        %eq3A_452 = arith.constant 1.800000e+01 : f32
        %eq3A_453 = vector.broadcast %eq3A_452 : f32 to vector<128x512xf32>
        %eq3A_454 = arith.cmpf oeq, %select_n3A_82, %eq3A_453 : vector<128x512xf32>
        %jit3A_455 = arith.constant 0.000000e+00 : f32
        %broadcast_in_dim3A_456 = vector.broadcast %jit3A_455 : f32 to vector<128x512xf32>
        %select_n3A_457 = arith.select %eq3A_454, %add3A_91, %broadcast_in_dim3A_456 : vector<128x512xi1>, vector<128x512xf32>
        %reduce_sum3A_458 = arith.constant dense<0.000000e+00> : vector<128xf32>
        %reduce_sum3A_459 = vector.multi_reduction <add>, %select_n3A_457, %reduce_sum3A_458 [1] : vector<128x512xf32> to vector<128xf32>
        %broadcast_in_dim3A_460 = vector.shape_cast %reduce_sum3A_459 : vector<128xf32> to vector<128x1xf32>
        %eq3A_461 = arith.constant 17 : i32
        %eq3A_462 = vector.broadcast %eq3A_461 : i32 to vector<1x32xi32>
        %eq3A_463 = arith.cmpi eq, %iota3A_94, %eq3A_462 : vector<1x32xi32>
        %jit3A_464 = arith.constant 1.000000e+00 : f32
        %jit3A_465 = arith.constant 0.000000e+00 : f32
        %broadcast_in_dim3A_466 = vector.broadcast %jit3A_464 : f32 to vector<1x32xf32>
        %broadcast_in_dim3A_467 = vector.broadcast %jit3A_465 : f32 to vector<1x32xf32>
        %select_n3A_468 = arith.select %eq3A_463, %broadcast_in_dim3A_466, %broadcast_in_dim3A_467 : vector<1x32xi1>, vector<1x32xf32>
        %mul3A_469 = vector.broadcast %broadcast_in_dim3A_460 : vector<128x1xf32> to vector<128x32xf32>
        %mul3A_470 = vector.broadcast %select_n3A_468 : vector<1x32xf32> to vector<128x32xf32>
        %mul3A_471 = arith.mulf %mul3A_469, %mul3A_470 : vector<128x32xf32>
        %add3A_472 = arith.addf %add3A_451, %mul3A_471 : vector<128x32xf32>
        %eq3A_473 = arith.constant 1.900000e+01 : f32
        %eq3A_474 = vector.broadcast %eq3A_473 : f32 to vector<128x512xf32>
        %eq3A_475 = arith.cmpf oeq, %select_n3A_82, %eq3A_474 : vector<128x512xf32>
        %jit3A_476 = arith.constant 0.000000e+00 : f32
        %broadcast_in_dim3A_477 = vector.broadcast %jit3A_476 : f32 to vector<128x512xf32>
        %select_n3A_478 = arith.select %eq3A_475, %add3A_91, %broadcast_in_dim3A_477 : vector<128x512xi1>, vector<128x512xf32>
        %reduce_sum3A_479 = arith.constant dense<0.000000e+00> : vector<128xf32>
        %reduce_sum3A_480 = vector.multi_reduction <add>, %select_n3A_478, %reduce_sum3A_479 [1] : vector<128x512xf32> to vector<128xf32>
        %broadcast_in_dim3A_481 = vector.shape_cast %reduce_sum3A_480 : vector<128xf32> to vector<128x1xf32>
        %eq3A_482 = arith.constant 18 : i32
        %eq3A_483 = vector.broadcast %eq3A_482 : i32 to vector<1x32xi32>
        %eq3A_484 = arith.cmpi eq, %iota3A_94, %eq3A_483 : vector<1x32xi32>
        %jit3A_485 = arith.constant 1.000000e+00 : f32
        %jit3A_486 = arith.constant 0.000000e+00 : f32
        %broadcast_in_dim3A_487 = vector.broadcast %jit3A_485 : f32 to vector<1x32xf32>
        %broadcast_in_dim3A_488 = vector.broadcast %jit3A_486 : f32 to vector<1x32xf32>
        %select_n3A_489 = arith.select %eq3A_484, %broadcast_in_dim3A_487, %broadcast_in_dim3A_488 : vector<1x32xi1>, vector<1x32xf32>
        %mul3A_490 = vector.broadcast %broadcast_in_dim3A_481 : vector<128x1xf32> to vector<128x32xf32>
        %mul3A_491 = vector.broadcast %select_n3A_489 : vector<1x32xf32> to vector<128x32xf32>
        %mul3A_492 = arith.mulf %mul3A_490, %mul3A_491 : vector<128x32xf32>
        %add3A_493 = arith.addf %add3A_472, %mul3A_492 : vector<128x32xf32>
        %eq3A_494 = arith.constant 2.000000e+01 : f32
        %eq3A_495 = vector.broadcast %eq3A_494 : f32 to vector<128x512xf32>
        %eq3A_496 = arith.cmpf oeq, %select_n3A_82, %eq3A_495 : vector<128x512xf32>
        %jit3A_497 = arith.constant 0.000000e+00 : f32
        %broadcast_in_dim3A_498 = vector.broadcast %jit3A_497 : f32 to vector<128x512xf32>
        %select_n3A_499 = arith.select %eq3A_496, %add3A_91, %broadcast_in_dim3A_498 : vector<128x512xi1>, vector<128x512xf32>
        %reduce_sum3A_500 = arith.constant dense<0.000000e+00> : vector<128xf32>
        %reduce_sum3A_501 = vector.multi_reduction <add>, %select_n3A_499, %reduce_sum3A_500 [1] : vector<128x512xf32> to vector<128xf32>
        %broadcast_in_dim3A_502 = vector.shape_cast %reduce_sum3A_501 : vector<128xf32> to vector<128x1xf32>
        %eq3A_503 = arith.constant 19 : i32
        %eq3A_504 = vector.broadcast %eq3A_503 : i32 to vector<1x32xi32>
        %eq3A_505 = arith.cmpi eq, %iota3A_94, %eq3A_504 : vector<1x32xi32>
        %jit3A_506 = arith.constant 1.000000e+00 : f32
        %jit3A_507 = arith.constant 0.000000e+00 : f32
        %broadcast_in_dim3A_508 = vector.broadcast %jit3A_506 : f32 to vector<1x32xf32>
        %broadcast_in_dim3A_509 = vector.broadcast %jit3A_507 : f32 to vector<1x32xf32>
        %select_n3A_510 = arith.select %eq3A_505, %broadcast_in_dim3A_508, %broadcast_in_dim3A_509 : vector<1x32xi1>, vector<1x32xf32>
        %mul3A_511 = vector.broadcast %broadcast_in_dim3A_502 : vector<128x1xf32> to vector<128x32xf32>
        %mul3A_512 = vector.broadcast %select_n3A_510 : vector<1x32xf32> to vector<128x32xf32>
        %mul3A_513 = arith.mulf %mul3A_511, %mul3A_512 : vector<128x32xf32>
        %add3A_514 = arith.addf %add3A_493, %mul3A_513 : vector<128x32xf32>
        %eq3A_515 = arith.constant 2.100000e+01 : f32
        %eq3A_516 = vector.broadcast %eq3A_515 : f32 to vector<128x512xf32>
        %eq3A_517 = arith.cmpf oeq, %select_n3A_82, %eq3A_516 : vector<128x512xf32>
        %jit3A_518 = arith.constant 0.000000e+00 : f32
        %broadcast_in_dim3A_519 = vector.broadcast %jit3A_518 : f32 to vector<128x512xf32>
        %select_n3A_520 = arith.select %eq3A_517, %add3A_91, %broadcast_in_dim3A_519 : vector<128x512xi1>, vector<128x512xf32>
        %reduce_sum3A_521 = arith.constant dense<0.000000e+00> : vector<128xf32>
        %reduce_sum3A_522 = vector.multi_reduction <add>, %select_n3A_520, %reduce_sum3A_521 [1] : vector<128x512xf32> to vector<128xf32>
        %broadcast_in_dim3A_523 = vector.shape_cast %reduce_sum3A_522 : vector<128xf32> to vector<128x1xf32>
        %eq3A_524 = arith.constant 20 : i32
        %eq3A_525 = vector.broadcast %eq3A_524 : i32 to vector<1x32xi32>
        %eq3A_526 = arith.cmpi eq, %iota3A_94, %eq3A_525 : vector<1x32xi32>
        %jit3A_527 = arith.constant 1.000000e+00 : f32
        %jit3A_528 = arith.constant 0.000000e+00 : f32
        %broadcast_in_dim3A_529 = vector.broadcast %jit3A_527 : f32 to vector<1x32xf32>
        %broadcast_in_dim3A_530 = vector.broadcast %jit3A_528 : f32 to vector<1x32xf32>
        %select_n3A_531 = arith.select %eq3A_526, %broadcast_in_dim3A_529, %broadcast_in_dim3A_530 : vector<1x32xi1>, vector<1x32xf32>
        %mul3A_532 = vector.broadcast %broadcast_in_dim3A_523 : vector<128x1xf32> to vector<128x32xf32>
        %mul3A_533 = vector.broadcast %select_n3A_531 : vector<1x32xf32> to vector<128x32xf32>
        %mul3A_534 = arith.mulf %mul3A_532, %mul3A_533 : vector<128x32xf32>
        %add3A_535 = arith.addf %add3A_514, %mul3A_534 : vector<128x32xf32>
        %eq3A_536 = arith.constant 2.200000e+01 : f32
        %eq3A_537 = vector.broadcast %eq3A_536 : f32 to vector<128x512xf32>
        %eq3A_538 = arith.cmpf oeq, %select_n3A_82, %eq3A_537 : vector<128x512xf32>
        %jit3A_539 = arith.constant 0.000000e+00 : f32
        %broadcast_in_dim3A_540 = vector.broadcast %jit3A_539 : f32 to vector<128x512xf32>
        %select_n3A_541 = arith.select %eq3A_538, %add3A_91, %broadcast_in_dim3A_540 : vector<128x512xi1>, vector<128x512xf32>
        %reduce_sum3A_542 = arith.constant dense<0.000000e+00> : vector<128xf32>
        %reduce_sum3A_543 = vector.multi_reduction <add>, %select_n3A_541, %reduce_sum3A_542 [1] : vector<128x512xf32> to vector<128xf32>
        %broadcast_in_dim3A_544 = vector.shape_cast %reduce_sum3A_543 : vector<128xf32> to vector<128x1xf32>
        %eq3A_545 = arith.constant 21 : i32
        %eq3A_546 = vector.broadcast %eq3A_545 : i32 to vector<1x32xi32>
        %eq3A_547 = arith.cmpi eq, %iota3A_94, %eq3A_546 : vector<1x32xi32>
        %jit3A_548 = arith.constant 1.000000e+00 : f32
        %jit3A_549 = arith.constant 0.000000e+00 : f32
        %broadcast_in_dim3A_550 = vector.broadcast %jit3A_548 : f32 to vector<1x32xf32>
        %broadcast_in_dim3A_551 = vector.broadcast %jit3A_549 : f32 to vector<1x32xf32>
        %select_n3A_552 = arith.select %eq3A_547, %broadcast_in_dim3A_550, %broadcast_in_dim3A_551 : vector<1x32xi1>, vector<1x32xf32>
        %mul3A_553 = vector.broadcast %broadcast_in_dim3A_544 : vector<128x1xf32> to vector<128x32xf32>
        %mul3A_554 = vector.broadcast %select_n3A_552 : vector<1x32xf32> to vector<128x32xf32>
        %mul3A_555 = arith.mulf %mul3A_553, %mul3A_554 : vector<128x32xf32>
        %add3A_556 = arith.addf %add3A_535, %mul3A_555 : vector<128x32xf32>
        %eq3A_557 = arith.constant 2.300000e+01 : f32
        %eq3A_558 = vector.broadcast %eq3A_557 : f32 to vector<128x512xf32>
        %eq3A_559 = arith.cmpf oeq, %select_n3A_82, %eq3A_558 : vector<128x512xf32>
        %jit3A_560 = arith.constant 0.000000e+00 : f32
        %broadcast_in_dim3A_561 = vector.broadcast %jit3A_560 : f32 to vector<128x512xf32>
        %select_n3A_562 = arith.select %eq3A_559, %add3A_91, %broadcast_in_dim3A_561 : vector<128x512xi1>, vector<128x512xf32>
        %reduce_sum3A_563 = arith.constant dense<0.000000e+00> : vector<128xf32>
        %reduce_sum3A_564 = vector.multi_reduction <add>, %select_n3A_562, %reduce_sum3A_563 [1] : vector<128x512xf32> to vector<128xf32>
        %broadcast_in_dim3A_565 = vector.shape_cast %reduce_sum3A_564 : vector<128xf32> to vector<128x1xf32>
        %eq3A_566 = arith.constant 22 : i32
        %eq3A_567 = vector.broadcast %eq3A_566 : i32 to vector<1x32xi32>
        %eq3A_568 = arith.cmpi eq, %iota3A_94, %eq3A_567 : vector<1x32xi32>
        %jit3A_569 = arith.constant 1.000000e+00 : f32
        %jit3A_570 = arith.constant 0.000000e+00 : f32
        %broadcast_in_dim3A_571 = vector.broadcast %jit3A_569 : f32 to vector<1x32xf32>
        %broadcast_in_dim3A_572 = vector.broadcast %jit3A_570 : f32 to vector<1x32xf32>
        %select_n3A_573 = arith.select %eq3A_568, %broadcast_in_dim3A_571, %broadcast_in_dim3A_572 : vector<1x32xi1>, vector<1x32xf32>
        %mul3A_574 = vector.broadcast %broadcast_in_dim3A_565 : vector<128x1xf32> to vector<128x32xf32>
        %mul3A_575 = vector.broadcast %select_n3A_573 : vector<1x32xf32> to vector<128x32xf32>
        %mul3A_576 = arith.mulf %mul3A_574, %mul3A_575 : vector<128x32xf32>
        %add3A_577 = arith.addf %add3A_556, %mul3A_576 : vector<128x32xf32>
        %eq3A_578 = arith.constant 2.400000e+01 : f32
        %eq3A_579 = vector.broadcast %eq3A_578 : f32 to vector<128x512xf32>
        %eq3A_580 = arith.cmpf oeq, %select_n3A_82, %eq3A_579 : vector<128x512xf32>
        %jit3A_581 = arith.constant 0.000000e+00 : f32
        %broadcast_in_dim3A_582 = vector.broadcast %jit3A_581 : f32 to vector<128x512xf32>
        %select_n3A_583 = arith.select %eq3A_580, %add3A_91, %broadcast_in_dim3A_582 : vector<128x512xi1>, vector<128x512xf32>
        %reduce_sum3A_584 = arith.constant dense<0.000000e+00> : vector<128xf32>
        %reduce_sum3A_585 = vector.multi_reduction <add>, %select_n3A_583, %reduce_sum3A_584 [1] : vector<128x512xf32> to vector<128xf32>
        %broadcast_in_dim3A_586 = vector.shape_cast %reduce_sum3A_585 : vector<128xf32> to vector<128x1xf32>
        %eq3A_587 = arith.constant 23 : i32
        %eq3A_588 = vector.broadcast %eq3A_587 : i32 to vector<1x32xi32>
        %eq3A_589 = arith.cmpi eq, %iota3A_94, %eq3A_588 : vector<1x32xi32>
        %jit3A_590 = arith.constant 1.000000e+00 : f32
        %jit3A_591 = arith.constant 0.000000e+00 : f32
        %broadcast_in_dim3A_592 = vector.broadcast %jit3A_590 : f32 to vector<1x32xf32>
        %broadcast_in_dim3A_593 = vector.broadcast %jit3A_591 : f32 to vector<1x32xf32>
        %select_n3A_594 = arith.select %eq3A_589, %broadcast_in_dim3A_592, %broadcast_in_dim3A_593 : vector<1x32xi1>, vector<1x32xf32>
        %mul3A_595 = vector.broadcast %broadcast_in_dim3A_586 : vector<128x1xf32> to vector<128x32xf32>
        %mul3A_596 = vector.broadcast %select_n3A_594 : vector<1x32xf32> to vector<128x32xf32>
        %mul3A_597 = arith.mulf %mul3A_595, %mul3A_596 : vector<128x32xf32>
        %add3A_598 = arith.addf %add3A_577, %mul3A_597 : vector<128x32xf32>
        %eq3A_599 = arith.constant 2.500000e+01 : f32
        %eq3A_600 = vector.broadcast %eq3A_599 : f32 to vector<128x512xf32>
        %eq3A_601 = arith.cmpf oeq, %select_n3A_82, %eq3A_600 : vector<128x512xf32>
        %jit3A_602 = arith.constant 0.000000e+00 : f32
        %broadcast_in_dim3A_603 = vector.broadcast %jit3A_602 : f32 to vector<128x512xf32>
        %select_n3A_604 = arith.select %eq3A_601, %add3A_91, %broadcast_in_dim3A_603 : vector<128x512xi1>, vector<128x512xf32>
        %reduce_sum3A_605 = arith.constant dense<0.000000e+00> : vector<128xf32>
        %reduce_sum3A_606 = vector.multi_reduction <add>, %select_n3A_604, %reduce_sum3A_605 [1] : vector<128x512xf32> to vector<128xf32>
        %broadcast_in_dim3A_607 = vector.shape_cast %reduce_sum3A_606 : vector<128xf32> to vector<128x1xf32>
        %eq3A_608 = arith.constant 24 : i32
        %eq3A_609 = vector.broadcast %eq3A_608 : i32 to vector<1x32xi32>
        %eq3A_610 = arith.cmpi eq, %iota3A_94, %eq3A_609 : vector<1x32xi32>
        %jit3A_611 = arith.constant 1.000000e+00 : f32
        %jit3A_612 = arith.constant 0.000000e+00 : f32
        %broadcast_in_dim3A_613 = vector.broadcast %jit3A_611 : f32 to vector<1x32xf32>
        %broadcast_in_dim3A_614 = vector.broadcast %jit3A_612 : f32 to vector<1x32xf32>
        %select_n3A_615 = arith.select %eq3A_610, %broadcast_in_dim3A_613, %broadcast_in_dim3A_614 : vector<1x32xi1>, vector<1x32xf32>
        %mul3A_616 = vector.broadcast %broadcast_in_dim3A_607 : vector<128x1xf32> to vector<128x32xf32>
        %mul3A_617 = vector.broadcast %select_n3A_615 : vector<1x32xf32> to vector<128x32xf32>
        %mul3A_618 = arith.mulf %mul3A_616, %mul3A_617 : vector<128x32xf32>
        %add3A_619 = arith.addf %add3A_598, %mul3A_618 : vector<128x32xf32>
        %eq3A_620 = arith.constant 2.600000e+01 : f32
        %eq3A_621 = vector.broadcast %eq3A_620 : f32 to vector<128x512xf32>
        %eq3A_622 = arith.cmpf oeq, %select_n3A_82, %eq3A_621 : vector<128x512xf32>
        %jit3A_623 = arith.constant 0.000000e+00 : f32
        %broadcast_in_dim3A_624 = vector.broadcast %jit3A_623 : f32 to vector<128x512xf32>
        %select_n3A_625 = arith.select %eq3A_622, %add3A_91, %broadcast_in_dim3A_624 : vector<128x512xi1>, vector<128x512xf32>
        %reduce_sum3A_626 = arith.constant dense<0.000000e+00> : vector<128xf32>
        %reduce_sum3A_627 = vector.multi_reduction <add>, %select_n3A_625, %reduce_sum3A_626 [1] : vector<128x512xf32> to vector<128xf32>
        %broadcast_in_dim3A_628 = vector.shape_cast %reduce_sum3A_627 : vector<128xf32> to vector<128x1xf32>
        %eq3A_629 = arith.constant 25 : i32
        %eq3A_630 = vector.broadcast %eq3A_629 : i32 to vector<1x32xi32>
        %eq3A_631 = arith.cmpi eq, %iota3A_94, %eq3A_630 : vector<1x32xi32>
        %jit3A_632 = arith.constant 1.000000e+00 : f32
        %jit3A_633 = arith.constant 0.000000e+00 : f32
        %broadcast_in_dim3A_634 = vector.broadcast %jit3A_632 : f32 to vector<1x32xf32>
        %broadcast_in_dim3A_635 = vector.broadcast %jit3A_633 : f32 to vector<1x32xf32>
        %select_n3A_636 = arith.select %eq3A_631, %broadcast_in_dim3A_634, %broadcast_in_dim3A_635 : vector<1x32xi1>, vector<1x32xf32>
        %mul3A_637 = vector.broadcast %broadcast_in_dim3A_628 : vector<128x1xf32> to vector<128x32xf32>
        %mul3A_638 = vector.broadcast %select_n3A_636 : vector<1x32xf32> to vector<128x32xf32>
        %mul3A_639 = arith.mulf %mul3A_637, %mul3A_638 : vector<128x32xf32>
        %add3A_640 = arith.addf %add3A_619, %mul3A_639 : vector<128x32xf32>
        %eq3A_641 = arith.constant 2.700000e+01 : f32
        %eq3A_642 = vector.broadcast %eq3A_641 : f32 to vector<128x512xf32>
        %eq3A_643 = arith.cmpf oeq, %select_n3A_82, %eq3A_642 : vector<128x512xf32>
        %jit3A_644 = arith.constant 0.000000e+00 : f32
        %broadcast_in_dim3A_645 = vector.broadcast %jit3A_644 : f32 to vector<128x512xf32>
        %select_n3A_646 = arith.select %eq3A_643, %add3A_91, %broadcast_in_dim3A_645 : vector<128x512xi1>, vector<128x512xf32>
        %reduce_sum3A_647 = arith.constant dense<0.000000e+00> : vector<128xf32>
        %reduce_sum3A_648 = vector.multi_reduction <add>, %select_n3A_646, %reduce_sum3A_647 [1] : vector<128x512xf32> to vector<128xf32>
        %broadcast_in_dim3A_649 = vector.shape_cast %reduce_sum3A_648 : vector<128xf32> to vector<128x1xf32>
        %eq3A_650 = arith.constant 26 : i32
        %eq3A_651 = vector.broadcast %eq3A_650 : i32 to vector<1x32xi32>
        %eq3A_652 = arith.cmpi eq, %iota3A_94, %eq3A_651 : vector<1x32xi32>
        %jit3A_653 = arith.constant 1.000000e+00 : f32
        %jit3A_654 = arith.constant 0.000000e+00 : f32
        %broadcast_in_dim3A_655 = vector.broadcast %jit3A_653 : f32 to vector<1x32xf32>
        %broadcast_in_dim3A_656 = vector.broadcast %jit3A_654 : f32 to vector<1x32xf32>
        %select_n3A_657 = arith.select %eq3A_652, %broadcast_in_dim3A_655, %broadcast_in_dim3A_656 : vector<1x32xi1>, vector<1x32xf32>
        %mul3A_658 = vector.broadcast %broadcast_in_dim3A_649 : vector<128x1xf32> to vector<128x32xf32>
        %mul3A_659 = vector.broadcast %select_n3A_657 : vector<1x32xf32> to vector<128x32xf32>
        %mul3A_660 = arith.mulf %mul3A_658, %mul3A_659 : vector<128x32xf32>
        %add3A_661 = arith.addf %add3A_640, %mul3A_660 : vector<128x32xf32>
        %eq3A_662 = arith.constant 2.800000e+01 : f32
        %eq3A_663 = vector.broadcast %eq3A_662 : f32 to vector<128x512xf32>
        %eq3A_664 = arith.cmpf oeq, %select_n3A_82, %eq3A_663 : vector<128x512xf32>
        %jit3A_665 = arith.constant 0.000000e+00 : f32
        %broadcast_in_dim3A_666 = vector.broadcast %jit3A_665 : f32 to vector<128x512xf32>
        %select_n3A_667 = arith.select %eq3A_664, %add3A_91, %broadcast_in_dim3A_666 : vector<128x512xi1>, vector<128x512xf32>
        %reduce_sum3A_668 = arith.constant dense<0.000000e+00> : vector<128xf32>
        %reduce_sum3A_669 = vector.multi_reduction <add>, %select_n3A_667, %reduce_sum3A_668 [1] : vector<128x512xf32> to vector<128xf32>
        %broadcast_in_dim3A_670 = vector.shape_cast %reduce_sum3A_669 : vector<128xf32> to vector<128x1xf32>
        %eq3A_671 = arith.constant 27 : i32
        %eq3A_672 = vector.broadcast %eq3A_671 : i32 to vector<1x32xi32>
        %eq3A_673 = arith.cmpi eq, %iota3A_94, %eq3A_672 : vector<1x32xi32>
        %jit3A_674 = arith.constant 1.000000e+00 : f32
        %jit3A_675 = arith.constant 0.000000e+00 : f32
        %broadcast_in_dim3A_676 = vector.broadcast %jit3A_674 : f32 to vector<1x32xf32>
        %broadcast_in_dim3A_677 = vector.broadcast %jit3A_675 : f32 to vector<1x32xf32>
        %select_n3A_678 = arith.select %eq3A_673, %broadcast_in_dim3A_676, %broadcast_in_dim3A_677 : vector<1x32xi1>, vector<1x32xf32>
        %mul3A_679 = vector.broadcast %broadcast_in_dim3A_670 : vector<128x1xf32> to vector<128x32xf32>
        %mul3A_680 = vector.broadcast %select_n3A_678 : vector<1x32xf32> to vector<128x32xf32>
        %mul3A_681 = arith.mulf %mul3A_679, %mul3A_680 : vector<128x32xf32>
        %add3A_682 = arith.addf %add3A_661, %mul3A_681 : vector<128x32xf32>
        %eq3A_683 = arith.constant 2.900000e+01 : f32
        %eq3A_684 = vector.broadcast %eq3A_683 : f32 to vector<128x512xf32>
        %eq3A_685 = arith.cmpf oeq, %select_n3A_82, %eq3A_684 : vector<128x512xf32>
        %jit3A_686 = arith.constant 0.000000e+00 : f32
        %broadcast_in_dim3A_687 = vector.broadcast %jit3A_686 : f32 to vector<128x512xf32>
        %select_n3A_688 = arith.select %eq3A_685, %add3A_91, %broadcast_in_dim3A_687 : vector<128x512xi1>, vector<128x512xf32>
        %reduce_sum3A_689 = arith.constant dense<0.000000e+00> : vector<128xf32>
        %reduce_sum3A_690 = vector.multi_reduction <add>, %select_n3A_688, %reduce_sum3A_689 [1] : vector<128x512xf32> to vector<128xf32>
        %broadcast_in_dim3A_691 = vector.shape_cast %reduce_sum3A_690 : vector<128xf32> to vector<128x1xf32>
        %eq3A_692 = arith.constant 28 : i32
        %eq3A_693 = vector.broadcast %eq3A_692 : i32 to vector<1x32xi32>
        %eq3A_694 = arith.cmpi eq, %iota3A_94, %eq3A_693 : vector<1x32xi32>
        %jit3A_695 = arith.constant 1.000000e+00 : f32
        %jit3A_696 = arith.constant 0.000000e+00 : f32
        %broadcast_in_dim3A_697 = vector.broadcast %jit3A_695 : f32 to vector<1x32xf32>
        %broadcast_in_dim3A_698 = vector.broadcast %jit3A_696 : f32 to vector<1x32xf32>
        %select_n3A_699 = arith.select %eq3A_694, %broadcast_in_dim3A_697, %broadcast_in_dim3A_698 : vector<1x32xi1>, vector<1x32xf32>
        %mul3A_700 = vector.broadcast %broadcast_in_dim3A_691 : vector<128x1xf32> to vector<128x32xf32>
        %mul3A_701 = vector.broadcast %select_n3A_699 : vector<1x32xf32> to vector<128x32xf32>
        %mul3A_702 = arith.mulf %mul3A_700, %mul3A_701 : vector<128x32xf32>
        %add3A_703 = arith.addf %add3A_682, %mul3A_702 : vector<128x32xf32>
        %eq3A_704 = arith.constant 3.000000e+01 : f32
        %eq3A_705 = vector.broadcast %eq3A_704 : f32 to vector<128x512xf32>
        %eq3A_706 = arith.cmpf oeq, %select_n3A_82, %eq3A_705 : vector<128x512xf32>
        %jit3A_707 = arith.constant 0.000000e+00 : f32
        %broadcast_in_dim3A_708 = vector.broadcast %jit3A_707 : f32 to vector<128x512xf32>
        %select_n3A_709 = arith.select %eq3A_706, %add3A_91, %broadcast_in_dim3A_708 : vector<128x512xi1>, vector<128x512xf32>
        %reduce_sum3A_710 = arith.constant dense<0.000000e+00> : vector<128xf32>
        %reduce_sum3A_711 = vector.multi_reduction <add>, %select_n3A_709, %reduce_sum3A_710 [1] : vector<128x512xf32> to vector<128xf32>
        %broadcast_in_dim3A_712 = vector.shape_cast %reduce_sum3A_711 : vector<128xf32> to vector<128x1xf32>
        %eq3A_713 = arith.constant 29 : i32
        %eq3A_714 = vector.broadcast %eq3A_713 : i32 to vector<1x32xi32>
        %eq3A_715 = arith.cmpi eq, %iota3A_94, %eq3A_714 : vector<1x32xi32>
        %jit3A_716 = arith.constant 1.000000e+00 : f32
        %jit3A_717 = arith.constant 0.000000e+00 : f32
        %broadcast_in_dim3A_718 = vector.broadcast %jit3A_716 : f32 to vector<1x32xf32>
        %broadcast_in_dim3A_719 = vector.broadcast %jit3A_717 : f32 to vector<1x32xf32>
        %select_n3A_720 = arith.select %eq3A_715, %broadcast_in_dim3A_718, %broadcast_in_dim3A_719 : vector<1x32xi1>, vector<1x32xf32>
        %mul3A_721 = vector.broadcast %broadcast_in_dim3A_712 : vector<128x1xf32> to vector<128x32xf32>
        %mul3A_722 = vector.broadcast %select_n3A_720 : vector<1x32xf32> to vector<128x32xf32>
        %mul3A_723 = arith.mulf %mul3A_721, %mul3A_722 : vector<128x32xf32>
        %add3A_724 = arith.addf %add3A_703, %mul3A_723 : vector<128x32xf32>
        %eq3A_725 = arith.constant 3.100000e+01 : f32
        %eq3A_726 = vector.broadcast %eq3A_725 : f32 to vector<128x512xf32>
        %eq3A_727 = arith.cmpf oeq, %select_n3A_82, %eq3A_726 : vector<128x512xf32>
        %jit3A_728 = arith.constant 0.000000e+00 : f32
        %broadcast_in_dim3A_729 = vector.broadcast %jit3A_728 : f32 to vector<128x512xf32>
        %select_n3A_730 = arith.select %eq3A_727, %add3A_91, %broadcast_in_dim3A_729 : vector<128x512xi1>, vector<128x512xf32>
        %reduce_sum3A_731 = arith.constant dense<0.000000e+00> : vector<128xf32>
        %reduce_sum3A_732 = vector.multi_reduction <add>, %select_n3A_730, %reduce_sum3A_731 [1] : vector<128x512xf32> to vector<128xf32>
        %broadcast_in_dim3A_733 = vector.shape_cast %reduce_sum3A_732 : vector<128xf32> to vector<128x1xf32>
        %eq3A_734 = arith.constant 30 : i32
        %eq3A_735 = vector.broadcast %eq3A_734 : i32 to vector<1x32xi32>
        %eq3A_736 = arith.cmpi eq, %iota3A_94, %eq3A_735 : vector<1x32xi32>
        %jit3A_737 = arith.constant 1.000000e+00 : f32
        %jit3A_738 = arith.constant 0.000000e+00 : f32
        %broadcast_in_dim3A_739 = vector.broadcast %jit3A_737 : f32 to vector<1x32xf32>
        %broadcast_in_dim3A_740 = vector.broadcast %jit3A_738 : f32 to vector<1x32xf32>
        %select_n3A_741 = arith.select %eq3A_736, %broadcast_in_dim3A_739, %broadcast_in_dim3A_740 : vector<1x32xi1>, vector<1x32xf32>
        %mul3A_742 = vector.broadcast %broadcast_in_dim3A_733 : vector<128x1xf32> to vector<128x32xf32>
        %mul3A_743 = vector.broadcast %select_n3A_741 : vector<1x32xf32> to vector<128x32xf32>
        %mul3A_744 = arith.mulf %mul3A_742, %mul3A_743 : vector<128x32xf32>
        %add3A_745 = arith.addf %add3A_724, %mul3A_744 : vector<128x32xf32>
        %eq3A_746 = arith.constant 3.200000e+01 : f32
        %eq3A_747 = vector.broadcast %eq3A_746 : f32 to vector<128x512xf32>
        %eq3A_748 = arith.cmpf oeq, %select_n3A_82, %eq3A_747 : vector<128x512xf32>
        %jit3A_749 = arith.constant 0.000000e+00 : f32
        %broadcast_in_dim3A_750 = vector.broadcast %jit3A_749 : f32 to vector<128x512xf32>
        %select_n3A_751 = arith.select %eq3A_748, %add3A_91, %broadcast_in_dim3A_750 : vector<128x512xi1>, vector<128x512xf32>
        %reduce_sum3A_752 = arith.constant dense<0.000000e+00> : vector<128xf32>
        %reduce_sum3A_753 = vector.multi_reduction <add>, %select_n3A_751, %reduce_sum3A_752 [1] : vector<128x512xf32> to vector<128xf32>
        %broadcast_in_dim3A_754 = vector.shape_cast %reduce_sum3A_753 : vector<128xf32> to vector<128x1xf32>
        %eq3A_755 = arith.constant 31 : i32
        %eq3A_756 = vector.broadcast %eq3A_755 : i32 to vector<1x32xi32>
        %eq3A_757 = arith.cmpi eq, %iota3A_94, %eq3A_756 : vector<1x32xi32>
        %jit3A_758 = arith.constant 1.000000e+00 : f32
        %jit3A_759 = arith.constant 0.000000e+00 : f32
        %broadcast_in_dim3A_760 = vector.broadcast %jit3A_758 : f32 to vector<1x32xf32>
        %broadcast_in_dim3A_761 = vector.broadcast %jit3A_759 : f32 to vector<1x32xf32>
        %select_n3A_762 = arith.select %eq3A_757, %broadcast_in_dim3A_760, %broadcast_in_dim3A_761 : vector<1x32xi1>, vector<1x32xf32>
        %mul3A_763 = vector.broadcast %broadcast_in_dim3A_754 : vector<128x1xf32> to vector<128x32xf32>
        %mul3A_764 = vector.broadcast %select_n3A_762 : vector<1x32xf32> to vector<128x32xf32>
        %mul3A_765 = arith.mulf %mul3A_763, %mul3A_764 : vector<128x32xf32>
        %add3A_766 = arith.addf %add3A_745, %mul3A_765 : vector<128x32xf32>
        %get3A_767 = arith.constant 0 : index
        %get3A_768 = arith.constant 0 : index
        %get3A_769 = arith.constant 0 : index
        %get3A_770 = vector.load %arg6[%get3A_767, %get3A_768, %get3A_769] : memref<1x128x32xf32, #tpu.memory_space<vmem>>, vector<1x128x32xf32>
        %get3A_771 = vector.shape_cast %get3A_770 : vector<1x128x32xf32> to vector<128x32xf32>
        %add3A_772 = arith.addf %get3A_771, %add3A_766 : vector<128x32xf32>
        %swap3A_773 = arith.constant 0 : index
        %swap3A_774 = arith.constant 0 : index
        %swap3A_775 = arith.constant 0 : index
        %swap3A_776 = vector.load %arg6[%swap3A_773, %swap3A_774, %swap3A_775] : memref<1x128x32xf32, #tpu.memory_space<vmem>>, vector<1x128x32xf32>
        %swap3A_777 = vector.shape_cast %swap3A_776 : vector<1x128x32xf32> to vector<128x32xf32>
        %swap3A_778 = vector.shape_cast %add3A_772 : vector<128x32xf32> to vector<1x128x32xf32>
        tpu.vector_store %arg6[%swap3A_773, %swap3A_774, %swap3A_775], %swap3A_778 {strides = array<i32>} : memref<1x128x32xf32, #tpu.memory_space<vmem>>, vector<1x128x32xf32>,
      } else {
      }
      %get3A_66 = arith.constant 0 : index
      %get3A_67 = arith.constant 0 : index
      %get3A_68 = vector.load %arg7[%get3A_66, %get3A_67] : memref<128x128xf32, #tpu.memory_space<vmem>>, vector<128x128xf32>
      %add3A_69 = vector.broadcast %broadcast_in_dim3A_50 : vector<128x1xf32> to vector<128x128xf32>
      %add3A_70 = arith.addf %get3A_68, %add3A_69 : vector<128x128xf32>
      %swap3A = arith.constant 0 : index
      %swap3A_71 = arith.constant 0 : index
      %swap3A_72 = vector.load %arg7[%swap3A, %swap3A_71] : memref<128x128xf32, #tpu.memory_space<vmem>>, vector<128x128xf32>
      tpu.vector_store %arg7[%swap3A, %swap3A_71], %add3A_70 {strides = array<i32>} : memref<128x128xf32, #tpu.memory_space<vmem>>, vector<128x128xf32>,
    } else {
    }
    %eq3A_12 = arith.constant 15 : i32
    %eq3A_13 = arith.cmpi eq, %arg2, %eq3A_12 : i32
    %convert_element_type3A_14 = arith.extui %eq3A_13 : i1 to i32
    %cond3A_15 = arith.constant 0 : i32
    %cond3A_16 = arith.cmpi ne, %convert_element_type3A_14, %cond3A_15 : i32
    scf.if %cond3A_16 {
      %get3A_17 = arith.constant 0 : index
      %get3A_18 = arith.constant 0 : index
      %get3A_19 = arith.constant 0 : index
      %get3A_20 = vector.load %arg6[%get3A_17, %get3A_18, %get3A_19] : memref<1x128x32xf32, #tpu.memory_space<vmem>>, vector<1x128x32xf32>
      %get3A_21 = vector.shape_cast %get3A_20 : vector<1x128x32xf32> to vector<128x32xf32>
      %get3A_22 = arith.constant 0 : index
      %get3A_23 = arith.constant 0 : index
      %get3A_24 = vector.load %arg7[%get3A_22, %get3A_23] : memref<128x128xf32, #tpu.memory_space<vmem>>, vector<128x128xf32>
      %slice3A_25 = vector.extract_strided_slice %get3A_24 {offsets = [0, 0], sizes = [128, 1], strides = [1, 1]} : vector<128x128xf32> to vector<128x1xf32>
      %iota3A = tpu.iota {dimensions = array<i32: 1>} : vector<128x32xi32>
      %convert_element_type3A_26 = arith.sitofp %iota3A : vector<128x32xi32> to vector<128x32xf32>
      %lt3A_27 = vector.broadcast %slice3A_25 : vector<128x1xf32> to vector<128x32xf32>
      %lt3A_28 = arith.cmpf olt, %convert_element_type3A_26, %lt3A_27 : vector<128x32xf32>
      %slice3A_29 = vector.extract_strided_slice %get3A_21 {offsets = [0, 0], sizes = [128, 1], strides = [1, 1]} : vector<128x32xf32> to vector<128x1xf32>
      %broadcast_in_dim3A = vector.shape_cast %slice3A_29 : vector<128x1xf32> to vector<128x1xf32>
      %broadcast_in_dim3A_30 = vector.broadcast %broadcast_in_dim3A : vector<128x1xf32> to vector<128x32xf32>
      %select_n3A = arith.select %lt3A_28, %get3A_21, %broadcast_in_dim3A_30 : vector<128x32xi1>, vector<128x32xf32>
      %swap3A = arith.constant 0 : index
      %swap3A_31 = arith.constant 0 : index
      %swap3A_32 = arith.constant 0 : index
      %swap3A_33 = vector.load %arg6[%swap3A, %swap3A_31, %swap3A_32] : memref<1x128x32xf32, #tpu.memory_space<vmem>>, vector<1x128x32xf32>
      %swap3A_34 = vector.shape_cast %swap3A_33 : vector<1x128x32xf32> to vector<128x32xf32>
      %swap3A_35 = vector.shape_cast %select_n3A : vector<128x32xf32> to vector<1x128x32xf32>
      tpu.vector_store %arg6[%swap3A, %swap3A_31, %swap3A_32], %swap3A_35 {strides = array<i32>} : memref<1x128x32xf32, #tpu.memory_space<vmem>>, vector<1x128x32xf32>,
    } else {
    }
    return
  }
  func.func @transform_0(%arg0: i32, %arg1: i32, %arg2: i32) -> (i32, i32, i32) {
    %c0_i32 = arith.constant 0 : i32
    %c0_i32_0 = arith.constant 0 : i32
    return %arg0, %arg1, %c0_i32 : i32, i32, i32
  }
  func.func @transform_1(%arg0: i32, %arg1: i32, %arg2: i32) -> (i32, i32, i32) {
    %c0_i32 = arith.constant 0 : i32
    %c0_i32_0 = arith.constant 0 : i32
    return %arg0, %c0_i32, %arg2 : i32, i32, i32
  }
  func.func @transform_2(%arg0: i32, %arg1: i32, %arg2: i32) -> (i32, i32) {
    %c0_i32 = arith.constant 0 : i32
    %c0_i32_0 = arith.constant 0 : i32
    %c0_i32_1 = arith.constant 0 : i32
    return %c0_i32, %c0_i32_0 : i32, i32
  }
  func.func @transform_3(%arg0: i32, %arg1: i32, %arg2: i32) -> (i32, i32, i32) {
    %c0_i32 = arith.constant 0 : i32
    %c0_i32_0 = arith.constant 0 : i32
    return %arg0, %arg1, %c0_i32 : i32, i32, i32
  }
}

module attributes {stable_mosaic.version = 14 : i64} {
  func.func @_p1_body(%arg0: i32, %arg1: memref<4096x16xf32, #tpu.memory_space<vmem>>, %arg2: memref<4096x16xf32, #tpu.memory_space<vmem>>, %arg3: memref<1x16xf32, #tpu.memory_space<vmem>>, %arg4: memref<16x16xf32, #tpu.memory_space<vmem>>) attributes {dimension_semantics = [#tpu.dimension_semantics<arbitrary>], iteration_bounds = array<i64: 32>, scalar_prefetch = 0 : i64, scratch_operands = 0 : i64, tpu.core_type = #tpu.core_type<tc>, window_params = [{transform_indices = @transform_0, window_bounds = array<i64: 4096, 16>}, {transform_indices = @transform_1, window_bounds = array<i64: 4096, 16>}, {pipeline_mode = #tpu.pipeline_mode<synchronous>, transform_indices = @transform_2, window_bounds = array<i64: 1, 16>}, {pipeline_mode = #tpu.pipeline_mode<synchronous>, transform_indices = @transform_3, window_bounds = array<i64: 16, 16>}]} {
    %get3A = arith.constant 0 : index
    %get3A_0 = arith.constant 0 : index
    %get3A_1 = vector.load %arg1[%get3A, %get3A_0] : memref<4096x16xf32, #tpu.memory_space<vmem>>, vector<4096x16xf32>
    %get3A_2 = arith.constant 0 : index
    %get3A_3 = arith.constant 0 : index
    %get3A_4 = vector.load %arg2[%get3A_2, %get3A_3] : memref<4096x16xf32, #tpu.memory_space<vmem>>, vector<4096x16xf32>
    %sub3A = arith.subf %get3A_1, %get3A_4 : vector<4096x16xf32>
    %eq3A = arith.constant 0 : i32
    %eq3A_5 = arith.cmpi eq, %arg0, %eq3A : i32
    %convert_element_type3A = arith.extui %eq3A_5 : i1 to i32
    %cond3A = arith.constant 0 : i32
    %cond3A_6 = arith.cmpi ne, %convert_element_type3A, %cond3A : i32
    scf.if %cond3A_6 {
      %broadcast_in_dim3A_21 = arith.constant 0.000000e+00 : f32
      %broadcast_in_dim3A_22 = vector.broadcast %broadcast_in_dim3A_21 : f32 to vector<1x16xf32>
      %swap3A_23 = arith.constant 0 : index
      %swap3A_24 = arith.constant 0 : index
      %swap3A_25 = vector.load %arg3[%swap3A_23, %swap3A_24] : memref<1x16xf32, #tpu.memory_space<vmem>>, vector<1x16xf32>
      tpu.vector_store %arg3[%swap3A_23, %swap3A_24], %broadcast_in_dim3A_22 {strides = array<i32>} : memref<1x16xf32, #tpu.memory_space<vmem>>, vector<1x16xf32>,
      %broadcast_in_dim3A_26 = arith.constant 0.000000e+00 : f32
      %broadcast_in_dim3A_27 = vector.broadcast %broadcast_in_dim3A_26 : f32 to vector<16x16xf32>
      %swap3A_28 = arith.constant 0 : index
      %swap3A_29 = arith.constant 0 : index
      %swap3A_30 = vector.load %arg4[%swap3A_28, %swap3A_29] : memref<16x16xf32, #tpu.memory_space<vmem>>, vector<16x16xf32>
      tpu.vector_store %arg4[%swap3A_28, %swap3A_29], %broadcast_in_dim3A_27 {strides = array<i32>} : memref<16x16xf32, #tpu.memory_space<vmem>>, vector<16x16xf32>,
    } else {
    }
    %get3A_7 = arith.constant 0 : index
    %get3A_8 = arith.constant 0 : index
    %get3A_9 = vector.load %arg3[%get3A_7, %get3A_8] : memref<1x16xf32, #tpu.memory_space<vmem>>, vector<1x16xf32>
    %reduce_sum3A = arith.constant dense<0.000000e+00> : vector<16xf32>
    %reduce_sum3A_10 = vector.multi_reduction <add>, %sub3A, %reduce_sum3A [0] : vector<4096x16xf32> to vector<16xf32>
    %broadcast_in_dim3A = vector.shape_cast %reduce_sum3A_10 : vector<16xf32> to vector<1x16xf32>
    %add3A = arith.addf %get3A_9, %broadcast_in_dim3A : vector<1x16xf32>
    %swap3A = arith.constant 0 : index
    %swap3A_11 = arith.constant 0 : index
    %swap3A_12 = vector.load %arg3[%swap3A, %swap3A_11] : memref<1x16xf32, #tpu.memory_space<vmem>>, vector<1x16xf32>
    tpu.vector_store %arg3[%swap3A, %swap3A_11], %add3A {strides = array<i32>} : memref<1x16xf32, #tpu.memory_space<vmem>>, vector<1x16xf32>,
    %get3A_13 = arith.constant 0 : index
    %get3A_14 = arith.constant 0 : index
    %get3A_15 = vector.load %arg4[%get3A_13, %get3A_14] : memref<16x16xf32, #tpu.memory_space<vmem>>, vector<16x16xf32>
    %dot_general3A = arith.constant dense<0.000000e+00> : vector<16x16xf32>
    %dot_general3A_16 = tpu.matmul %sub3A, %sub3A, %dot_general3A {dimension_numbers = #tpu.dot_dimension_numbers<[0], [0], [1], [1], [0, 1, 1, 1], [], []>, transpose_lhs_hint = false} : vector<4096x16xf32>, vector<4096x16xf32>, vector<16x16xf32> -> vector<16x16xf32>
    %add3A_17 = arith.addf %get3A_15, %dot_general3A_16 : vector<16x16xf32>
    %swap3A_18 = arith.constant 0 : index
    %swap3A_19 = arith.constant 0 : index
    %swap3A_20 = vector.load %arg4[%swap3A_18, %swap3A_19] : memref<16x16xf32, #tpu.memory_space<vmem>>, vector<16x16xf32>
    tpu.vector_store %arg4[%swap3A_18, %swap3A_19], %add3A_17 {strides = array<i32>} : memref<16x16xf32, #tpu.memory_space<vmem>>, vector<16x16xf32>,
    return
  }
  func.func @transform_0(%arg0: i32) -> (i32, i32) {
    %c0_i32 = arith.constant 0 : i32
    %c0_i32_0 = arith.constant 0 : i32
    return %arg0, %c0_i32 : i32, i32
  }
  func.func @transform_1(%arg0: i32) -> (i32, i32) {
    %c0_i32 = arith.constant 0 : i32
    %c0_i32_0 = arith.constant 0 : i32
    return %arg0, %c0_i32 : i32, i32
  }
  func.func @transform_2(%arg0: i32) -> (i32, i32) {
    %c0_i32 = arith.constant 0 : i32
    %c0_i32_0 = arith.constant 0 : i32
    %c0_i32_1 = arith.constant 0 : i32
    return %c0_i32, %c0_i32_0 : i32, i32
  }
  func.func @transform_3(%arg0: i32) -> (i32, i32) {
    %c0_i32 = arith.constant 0 : i32
    %c0_i32_0 = arith.constant 0 : i32
    %c0_i32_1 = arith.constant 0 : i32
    return %c0_i32, %c0_i32_0 : i32, i32
  }
}

module attributes {stable_mosaic.version = 14 : i64} {
  func.func @_p2_body(%arg0: i32, %arg1: memref<4096x16xf32, #tpu.memory_space<vmem>>, %arg2: memref<4096x16xf32, #tpu.memory_space<vmem>>, %arg3: memref<32x16xf32, #tpu.memory_space<vmem>>, %arg4: memref<2x32xf32, #tpu.memory_space<vmem>>, %arg5: memref<1x32xf32, #tpu.memory_space<vmem>>, %arg6: memref<32x32xf32, #tpu.memory_space<vmem>>) attributes {dimension_semantics = [#tpu.dimension_semantics<arbitrary>], iteration_bounds = array<i64: 32>, scalar_prefetch = 0 : i64, scratch_operands = 0 : i64, tpu.core_type = #tpu.core_type<tc>, window_params = [{transform_indices = @transform_0, window_bounds = array<i64: 4096, 16>}, {transform_indices = @transform_1, window_bounds = array<i64: 4096, 16>}, {pipeline_mode = #tpu.pipeline_mode<synchronous>, transform_indices = @transform_2, window_bounds = array<i64: 32, 16>}, {pipeline_mode = #tpu.pipeline_mode<synchronous>, transform_indices = @transform_3, window_bounds = array<i64: 2, 32>}, {pipeline_mode = #tpu.pipeline_mode<synchronous>, transform_indices = @transform_4, window_bounds = array<i64: 1, 32>}, {pipeline_mode = #tpu.pipeline_mode<synchronous>, transform_indices = @transform_5, window_bounds = array<i64: 32, 32>}]} {
    %get3A = arith.constant 0 : index
    %get3A_0 = arith.constant 0 : index
    %get3A_1 = vector.load %arg1[%get3A, %get3A_0] : memref<4096x16xf32, #tpu.memory_space<vmem>>, vector<4096x16xf32>
    %get3A_2 = arith.constant 0 : index
    %get3A_3 = arith.constant 0 : index
    %get3A_4 = vector.load %arg2[%get3A_2, %get3A_3] : memref<4096x16xf32, #tpu.memory_space<vmem>>, vector<4096x16xf32>
    %sub3A = arith.subf %get3A_1, %get3A_4 : vector<4096x16xf32>
    %get3A_5 = arith.constant 0 : index
    %get3A_6 = arith.constant 0 : index
    %get3A_7 = vector.load %arg3[%get3A_5, %get3A_6] : memref<32x16xf32, #tpu.memory_space<vmem>>, vector<32x16xf32>
    %dot_general3A = arith.constant dense<0.000000e+00> : vector<4096x32xf32>
    %dot_general3A_8 = tpu.matmul %sub3A, %get3A_7, %dot_general3A {dimension_numbers = #tpu.dot_dimension_numbers<[1], [1], [0], [0], [0, 0, 1, 0], [], []>, transpose_lhs_hint = false} : vector<4096x16xf32>, vector<32x16xf32>, vector<4096x32xf32> -> vector<4096x32xf32>
    %get3A_9 = arith.constant 0 : index
    %get3A_10 = arith.constant 0 : index
    %get3A_11 = vector.load %arg4[%get3A_9, %get3A_10] : memref<2x32xf32, #tpu.memory_space<vmem>>, vector<1x32xf32>
    %mul3A = vector.broadcast %get3A_11 : vector<1x32xf32> to vector<4096x32xf32>
    %mul3A_12 = arith.mulf %dot_general3A_8, %mul3A : vector<4096x32xf32>
    %get3A_13 = arith.constant 1 : index
    %get3A_14 = arith.constant 0 : index
    %get3A_15 = vector.load %arg4[%get3A_13, %get3A_14] : memref<2x32xf32, #tpu.memory_space<vmem>>, vector<1x32xf32>
    %add3A = vector.broadcast %get3A_15 : vector<1x32xf32> to vector<4096x32xf32>
    %add3A_16 = arith.addf %mul3A_12, %add3A : vector<4096x32xf32>
    %max3A = arith.constant 0.000000e+00 : f32
    %max3A_17 = vector.broadcast %max3A : f32 to vector<4096x32xf32>
    %max3A_18 = arith.maximumf %add3A_16, %max3A_17 : vector<4096x32xf32>
    %eq3A = arith.constant 0 : i32
    %eq3A_19 = arith.cmpi eq, %arg0, %eq3A : i32
    %convert_element_type3A = arith.extui %eq3A_19 : i1 to i32
    %cond3A = arith.constant 0 : i32
    %cond3A_20 = arith.cmpi ne, %convert_element_type3A, %cond3A : i32
    scf.if %cond3A_20 {
      %broadcast_in_dim3A_37 = arith.constant 0.000000e+00 : f32
      %broadcast_in_dim3A_38 = vector.broadcast %broadcast_in_dim3A_37 : f32 to vector<1x32xf32>
      %swap3A_39 = arith.constant 0 : index
      %swap3A_40 = arith.constant 0 : index
      %swap3A_41 = vector.load %arg5[%swap3A_39, %swap3A_40] : memref<1x32xf32, #tpu.memory_space<vmem>>, vector<1x32xf32>
      tpu.vector_store %arg5[%swap3A_39, %swap3A_40], %broadcast_in_dim3A_38 {strides = array<i32>} : memref<1x32xf32, #tpu.memory_space<vmem>>, vector<1x32xf32>,
      %broadcast_in_dim3A_42 = arith.constant 0.000000e+00 : f32
      %broadcast_in_dim3A_43 = vector.broadcast %broadcast_in_dim3A_42 : f32 to vector<32x32xf32>
      %swap3A_44 = arith.constant 0 : index
      %swap3A_45 = arith.constant 0 : index
      %swap3A_46 = vector.load %arg6[%swap3A_44, %swap3A_45] : memref<32x32xf32, #tpu.memory_space<vmem>>, vector<32x32xf32>
      tpu.vector_store %arg6[%swap3A_44, %swap3A_45], %broadcast_in_dim3A_43 {strides = array<i32>} : memref<32x32xf32, #tpu.memory_space<vmem>>, vector<32x32xf32>,
    } else {
    }
    %get3A_21 = arith.constant 0 : index
    %get3A_22 = arith.constant 0 : index
    %get3A_23 = vector.load %arg5[%get3A_21, %get3A_22] : memref<1x32xf32, #tpu.memory_space<vmem>>, vector<1x32xf32>
    %reduce_sum3A = arith.constant dense<0.000000e+00> : vector<32xf32>
    %reduce_sum3A_24 = vector.multi_reduction <add>, %max3A_18, %reduce_sum3A [0] : vector<4096x32xf32> to vector<32xf32>
    %broadcast_in_dim3A = vector.shape_cast %reduce_sum3A_24 : vector<32xf32> to vector<1x32xf32>
    %add3A_25 = arith.addf %get3A_23, %broadcast_in_dim3A : vector<1x32xf32>
    %swap3A = arith.constant 0 : index
    %swap3A_26 = arith.constant 0 : index
    %swap3A_27 = vector.load %arg5[%swap3A, %swap3A_26] : memref<1x32xf32, #tpu.memory_space<vmem>>, vector<1x32xf32>
    tpu.vector_store %arg5[%swap3A, %swap3A_26], %add3A_25 {strides = array<i32>} : memref<1x32xf32, #tpu.memory_space<vmem>>, vector<1x32xf32>,
    %get3A_28 = arith.constant 0 : index
    %get3A_29 = arith.constant 0 : index
    %get3A_30 = vector.load %arg6[%get3A_28, %get3A_29] : memref<32x32xf32, #tpu.memory_space<vmem>>, vector<32x32xf32>
    %dot_general3A_31 = arith.constant dense<0.000000e+00> : vector<32x32xf32>
    %dot_general3A_32 = tpu.matmul %max3A_18, %max3A_18, %dot_general3A_31 {dimension_numbers = #tpu.dot_dimension_numbers<[0], [0], [1], [1], [0, 1, 1, 1], [], []>, transpose_lhs_hint = false} : vector<4096x32xf32>, vector<4096x32xf32>, vector<32x32xf32> -> vector<32x32xf32>
    %add3A_33 = arith.addf %get3A_30, %dot_general3A_32 : vector<32x32xf32>
    %swap3A_34 = arith.constant 0 : index
    %swap3A_35 = arith.constant 0 : index
    %swap3A_36 = vector.load %arg6[%swap3A_34, %swap3A_35] : memref<32x32xf32, #tpu.memory_space<vmem>>, vector<32x32xf32>
    tpu.vector_store %arg6[%swap3A_34, %swap3A_35], %add3A_33 {strides = array<i32>} : memref<32x32xf32, #tpu.memory_space<vmem>>, vector<32x32xf32>,
    return
  }
  func.func @transform_0(%arg0: i32) -> (i32, i32) {
    %c0_i32 = arith.constant 0 : i32
    %c0_i32_0 = arith.constant 0 : i32
    return %arg0, %c0_i32 : i32, i32
  }
  func.func @transform_1(%arg0: i32) -> (i32, i32) {
    %c0_i32 = arith.constant 0 : i32
    %c0_i32_0 = arith.constant 0 : i32
    return %arg0, %c0_i32 : i32, i32
  }
  func.func @transform_2(%arg0: i32) -> (i32, i32) {
    %c0_i32 = arith.constant 0 : i32
    %c0_i32_0 = arith.constant 0 : i32
    %c0_i32_1 = arith.constant 0 : i32
    return %c0_i32, %c0_i32_0 : i32, i32
  }
  func.func @transform_3(%arg0: i32) -> (i32, i32) {
    %c0_i32 = arith.constant 0 : i32
    %c0_i32_0 = arith.constant 0 : i32
    %c0_i32_1 = arith.constant 0 : i32
    return %c0_i32, %c0_i32_0 : i32, i32
  }
  func.func @transform_4(%arg0: i32) -> (i32, i32) {
    %c0_i32 = arith.constant 0 : i32
    %c0_i32_0 = arith.constant 0 : i32
    %c0_i32_1 = arith.constant 0 : i32
    return %c0_i32, %c0_i32_0 : i32, i32
  }
  func.func @transform_5(%arg0: i32) -> (i32, i32) {
    %c0_i32 = arith.constant 0 : i32
    %c0_i32_0 = arith.constant 0 : i32
    %c0_i32_1 = arith.constant 0 : i32
    return %c0_i32, %c0_i32_0 : i32, i32
  }
}

module attributes {stable_mosaic.version = 14 : i64} {
  func.func @_p3_body(%arg0: i32, %arg1: memref<4096x16xf32, #tpu.memory_space<vmem>>, %arg2: memref<4096x16xf32, #tpu.memory_space<vmem>>, %arg3: memref<4096x128xf32, #tpu.memory_space<vmem>>, %arg4: memref<32x16xf32, #tpu.memory_space<vmem>>, %arg5: memref<2x32xf32, #tpu.memory_space<vmem>>, %arg6: memref<128x32xf32, #tpu.memory_space<vmem>>, %arg7: memref<2x128xf32, #tpu.memory_space<vmem>>, %arg8: memref<2x128xf32, #tpu.memory_space<vmem>>, %arg9: memref<128x128xf32, #tpu.memory_space<vmem>>) attributes {dimension_semantics = [#tpu.dimension_semantics<arbitrary>], iteration_bounds = array<i64: 32>, scalar_prefetch = 0 : i64, scratch_operands = 0 : i64, tpu.core_type = #tpu.core_type<tc>, window_params = [{transform_indices = @transform_0, window_bounds = array<i64: 4096, 16>}, {transform_indices = @transform_1, window_bounds = array<i64: 4096, 16>}, {transform_indices = @transform_2, window_bounds = array<i64: 4096, 128>}, {pipeline_mode = #tpu.pipeline_mode<synchronous>, transform_indices = @transform_3, window_bounds = array<i64: 32, 16>}, {pipeline_mode = #tpu.pipeline_mode<synchronous>, transform_indices = @transform_4, window_bounds = array<i64: 2, 32>}, {pipeline_mode = #tpu.pipeline_mode<synchronous>, transform_indices = @transform_5, window_bounds = array<i64: 128, 32>}, {pipeline_mode = #tpu.pipeline_mode<synchronous>, transform_indices = @transform_6, window_bounds = array<i64: 2, 128>}, {pipeline_mode = #tpu.pipeline_mode<synchronous>, transform_indices = @transform_7, window_bounds = array<i64: 2, 128>}, {transform_indices = @transform_8, window_bounds = array<i64: 128, 128>}]} {
    %get3A = arith.constant 0 : index
    %get3A_0 = arith.constant 0 : index
    %get3A_1 = vector.load %arg1[%get3A, %get3A_0] : memref<4096x16xf32, #tpu.memory_space<vmem>>, vector<4096x16xf32>
    %get3A_2 = arith.constant 0 : index
    %get3A_3 = arith.constant 0 : index
    %get3A_4 = vector.load %arg2[%get3A_2, %get3A_3] : memref<4096x16xf32, #tpu.memory_space<vmem>>, vector<4096x16xf32>
    %sub3A = arith.subf %get3A_1, %get3A_4 : vector<4096x16xf32>
    %get3A_5 = arith.constant 0 : index
    %get3A_6 = arith.constant 0 : index
    %get3A_7 = vector.load %arg4[%get3A_5, %get3A_6] : memref<32x16xf32, #tpu.memory_space<vmem>>, vector<32x16xf32>
    %dot_general3A = arith.constant dense<0.000000e+00> : vector<4096x32xf32>
    %dot_general3A_8 = tpu.matmul %sub3A, %get3A_7, %dot_general3A {dimension_numbers = #tpu.dot_dimension_numbers<[1], [1], [0], [0], [0, 0, 1, 0], [], []>, transpose_lhs_hint = false} : vector<4096x16xf32>, vector<32x16xf32>, vector<4096x32xf32> -> vector<4096x32xf32>
    %get3A_9 = arith.constant 0 : index
    %get3A_10 = arith.constant 0 : index
    %get3A_11 = vector.load %arg5[%get3A_9, %get3A_10] : memref<2x32xf32, #tpu.memory_space<vmem>>, vector<1x32xf32>
    %mul3A = vector.broadcast %get3A_11 : vector<1x32xf32> to vector<4096x32xf32>
    %mul3A_12 = arith.mulf %dot_general3A_8, %mul3A : vector<4096x32xf32>
    %get3A_13 = arith.constant 1 : index
    %get3A_14 = arith.constant 0 : index
    %get3A_15 = vector.load %arg5[%get3A_13, %get3A_14] : memref<2x32xf32, #tpu.memory_space<vmem>>, vector<1x32xf32>
    %add3A = vector.broadcast %get3A_15 : vector<1x32xf32> to vector<4096x32xf32>
    %add3A_16 = arith.addf %mul3A_12, %add3A : vector<4096x32xf32>
    %max3A = arith.constant 0.000000e+00 : f32
    %max3A_17 = vector.broadcast %max3A : f32 to vector<4096x32xf32>
    %max3A_18 = arith.maximumf %add3A_16, %max3A_17 : vector<4096x32xf32>
    %get3A_19 = arith.constant 0 : index
    %get3A_20 = arith.constant 0 : index
    %get3A_21 = vector.load %arg6[%get3A_19, %get3A_20] : memref<128x32xf32, #tpu.memory_space<vmem>>, vector<128x32xf32>
    %dot_general3A_22 = arith.constant dense<0.000000e+00> : vector<4096x128xf32>
    %dot_general3A_23 = tpu.matmul %max3A_18, %get3A_21, %dot_general3A_22 {dimension_numbers = #tpu.dot_dimension_numbers<[1], [1], [0], [0], [0, 0, 1, 0], [], []>, transpose_lhs_hint = false} : vector<4096x32xf32>, vector<128x32xf32>, vector<4096x128xf32> -> vector<4096x128xf32>
    %get3A_24 = arith.constant 0 : index
    %get3A_25 = arith.constant 0 : index
    %get3A_26 = vector.load %arg7[%get3A_24, %get3A_25] : memref<2x128xf32, #tpu.memory_space<vmem>>, vector<1x128xf32>
    %mul3A_27 = vector.broadcast %get3A_26 : vector<1x128xf32> to vector<4096x128xf32>
    %mul3A_28 = arith.mulf %dot_general3A_23, %mul3A_27 : vector<4096x128xf32>
    %get3A_29 = arith.constant 1 : index
    %get3A_30 = arith.constant 0 : index
    %get3A_31 = vector.load %arg7[%get3A_29, %get3A_30] : memref<2x128xf32, #tpu.memory_space<vmem>>, vector<1x128xf32>
    %add3A_32 = vector.broadcast %get3A_31 : vector<1x128xf32> to vector<4096x128xf32>
    %add3A_33 = arith.addf %mul3A_28, %add3A_32 : vector<4096x128xf32>
    %max3A_34 = arith.constant 0.000000e+00 : f32
    %max3A_35 = vector.broadcast %max3A_34 : f32 to vector<4096x128xf32>
    %max3A_36 = arith.maximumf %add3A_33, %max3A_35 : vector<4096x128xf32>
    %get3A_37 = arith.constant 0 : index
    %get3A_38 = arith.constant 0 : index
    %get3A_39 = vector.load %arg3[%get3A_37, %get3A_38] : memref<4096x128xf32, #tpu.memory_space<vmem>>, vector<4096x128xf32>
    %get3A_40 = arith.constant 0 : index
    %get3A_41 = arith.constant 0 : index
    %get3A_42 = vector.load %arg8[%get3A_40, %get3A_41] : memref<2x128xf32, #tpu.memory_space<vmem>>, vector<1x128xf32>
    %mul3A_43 = vector.broadcast %get3A_42 : vector<1x128xf32> to vector<4096x128xf32>
    %mul3A_44 = arith.mulf %get3A_39, %mul3A_43 : vector<4096x128xf32>
    %get3A_45 = arith.constant 1 : index
    %get3A_46 = arith.constant 0 : index
    %get3A_47 = vector.load %arg8[%get3A_45, %get3A_46] : memref<2x128xf32, #tpu.memory_space<vmem>>, vector<1x128xf32>
    %add3A_48 = vector.broadcast %get3A_47 : vector<1x128xf32> to vector<4096x128xf32>
    %add3A_49 = arith.addf %mul3A_44, %add3A_48 : vector<4096x128xf32>
    %max3A_50 = arith.constant 0.000000e+00 : f32
    %max3A_51 = vector.broadcast %max3A_50 : f32 to vector<4096x128xf32>
    %max3A_52 = arith.maximumf %add3A_49, %max3A_51 : vector<4096x128xf32>
    %add3A_53 = arith.addf %max3A_52, %max3A_36 : vector<4096x128xf32>
    %reshape3A = vector.shape_cast %add3A_53 : vector<4096x128xf32> to vector<128x32x128xf32>
    %reduce_max3A = arith.constant dense<0xFF800000> : vector<128x128xf32>
    %reduce_max3A_54 = vector.multi_reduction <maximumf>, %reshape3A, %reduce_max3A [1] : vector<128x32x128xf32> to vector<128x128xf32>
    %swap3A = arith.constant 0 : index
    %swap3A_55 = arith.constant 0 : index
    %swap3A_56 = vector.load %arg9[%swap3A, %swap3A_55] : memref<128x128xf32, #tpu.memory_space<vmem>>, vector<128x128xf32>
    tpu.vector_store %arg9[%swap3A, %swap3A_55], %reduce_max3A_54 {strides = array<i32>} : memref<128x128xf32, #tpu.memory_space<vmem>>, vector<128x128xf32>,
    return
  }
  func.func @transform_0(%arg0: i32) -> (i32, i32) {
    %c0_i32 = arith.constant 0 : i32
    %c0_i32_0 = arith.constant 0 : i32
    return %arg0, %c0_i32 : i32, i32
  }
  func.func @transform_1(%arg0: i32) -> (i32, i32) {
    %c0_i32 = arith.constant 0 : i32
    %c0_i32_0 = arith.constant 0 : i32
    return %arg0, %c0_i32 : i32, i32
  }
  func.func @transform_2(%arg0: i32) -> (i32, i32) {
    %c0_i32 = arith.constant 0 : i32
    %c0_i32_0 = arith.constant 0 : i32
    return %arg0, %c0_i32 : i32, i32
  }
  func.func @transform_3(%arg0: i32) -> (i32, i32) {
    %c0_i32 = arith.constant 0 : i32
    %c0_i32_0 = arith.constant 0 : i32
    %c0_i32_1 = arith.constant 0 : i32
    return %c0_i32, %c0_i32_0 : i32, i32
  }
  func.func @transform_4(%arg0: i32) -> (i32, i32) {
    %c0_i32 = arith.constant 0 : i32
    %c0_i32_0 = arith.constant 0 : i32
    %c0_i32_1 = arith.constant 0 : i32
    return %c0_i32, %c0_i32_0 : i32, i32
  }
  func.func @transform_5(%arg0: i32) -> (i32, i32) {
    %c0_i32 = arith.constant 0 : i32
    %c0_i32_0 = arith.constant 0 : i32
    %c0_i32_1 = arith.constant 0 : i32
    return %c0_i32, %c0_i32_0 : i32, i32
  }
  func.func @transform_6(%arg0: i32) -> (i32, i32) {
    %c0_i32 = arith.constant 0 : i32
    %c0_i32_0 = arith.constant 0 : i32
    %c0_i32_1 = arith.constant 0 : i32
    return %c0_i32, %c0_i32_0 : i32, i32
  }
  func.func @transform_7(%arg0: i32) -> (i32, i32) {
    %c0_i32 = arith.constant 0 : i32
    %c0_i32_0 = arith.constant 0 : i32
    %c0_i32_1 = arith.constant 0 : i32
    return %c0_i32, %c0_i32_0 : i32, i32
  }
  func.func @transform_8(%arg0: i32) -> (i32, i32) {
    %c0_i32 = arith.constant 0 : i32
    %c0_i32_0 = arith.constant 0 : i32
    return %arg0, %c0_i32 : i32, i32
  }
}

</mosaic_0001>

<sc_bundles>
// kernel: kernel.11.cloned.1.call-start
scs
__scs_entry_jumppad:
0x0: {  	(pc) =	sbr.rel $0x88, $3  }
0x1: {  	(tag) =	ssettag $0x0;
	lr =	simm.s32 $0x1  }
0x2: {  	[smem:$0x3F95] =	sst lr;
	_ =	strace $0xD0000000  }
0x3: {  	_ = 	snop  }
0x4: {  	_ = 	snop  }
0x5: {  	_ = 	snop  }
0x6: {  	_ = 	snop  }
0x7: {  	_ = 	snop  }
__scs_overlays_trampoline_lowered:
0x8: {  	[smem:$0x3FA4] =	sst s0  }
0x9: {  	[smem:$0x3FA5] =	sst s1  }
0xa: {  	[smem:$0x3FA6] =	sst s2  }
0xb: {  	[smem:$0x3FA7] =	sst s3  }
0xc: {  	[smem:$0x3FA8] =	sst s4  }
0xd: {  	[smem:$0x3FA9] =	sst s5  }
0xe: {  	[smem:$0x3FAA] =	sst s6  }
0xf: {  	[smem:$0x3FAB] =	sst s7  }
0x10: {  	[smem:$0x3FAC] =	sst s8  }
0x11: {  	[smem:$0x3FAD] =	sst s9;
	s0 =	simm.s32 @!p0 $0x0  }
0x12: {  	s1 =	sld [smem:$0x3F93];
	s0 =	simm.s32 @p0 $0x1  }
0x13: {  	[smem:$0x3FAE] =	sst s0;
	s0 =	simm.s32 @!p1 $0x0  }
0x14: {  	s2 =	sld [smem:$0x3F92];
	s0 =	simm.s32 @p1 $0x1  }
0x15: {  	[smem:$0x3FAF] =	sst s0;
	s0 =	simm.s32 @!p2 $0x0  }
0x16: {  	s3 =	sld [smem:$0x3FDB];
	s0 =	simm.s32 @p2 $0x1  }
0x17: {  	s4 =	simm.s32 $0x1BF5;
	[smem:$0x3FB1] =	sst s0  }
0x18: {  	s0 =	sld [smem:$0x3F94];
	_ =	swait.ge [sflag:s4], $0x0  }
0x19: {  	s7 =	sld [smem:$0x3F95]  }
0x1a: {  	s8 =	sadd.s32 $0xFFFFE003, lr  }
0x1b: {  	s9 =	sadd.s32 $0xFFFFFEF7, lr;
	s5 =	simm.s32 $0xFFFFFFFF;
	p2 =	slt.u32 s8, $0xFFFFF086  }
0x1c: {  	p1 =	slt.u32 s9, $0xF7A;
	s5 =	simm.s32 @!p2 $0x0  }
0x1d: {  	s5 =	simm.s32 @p1 $0x1;
	p0 =	seq.s32 s7, s2  }
0x1e: {  	s7 =	smul.u32 @!p0 $0xF7A, s2;
	p2 =	seq.s32 @!p0 s5, $0x0  }
0x1f: {  	s9 =	smul.u32 $0xF7A, s1;
	s8 =	simm.s32 @!p0 $0x1BF5;
	p2 =	por !p2, p0  }
0x20: {  	[sflag:s8] =	ssyncset.s32 @!p0 $0xFFFFF086;
	s6 =	sadd.s32 @!p0 s3, s7;
	s7 =	simm.s32 @!p0 $0x108  }
0x21: {  	s3 =	sadd.s32 s3, s9;
	s6 =	sadd.s32 @!p0 $0x88, s6;
	s7 =	simm.s32 @p2 $0x1082  }
0x22: {  	[simem:s7], [sflag:s8] =	dma.local @!p0 [hbm:s6], $0xF7A  }
0x23: {  	s9 =	sor.u32 $0xD0000000, s2;
	s6 =	simm.s32 $0x108;
	_ =	swait.ge @!p0 [sflag:s8], $0x0  }
0x24: {  	s3 =	sadd.s32 $0x88, s3;
	s6 =	simm.s32 @!p1 $0x1082;
	[sflag:s4] =	ssyncset.s32 $0xFFFFF086  }
0x25: {  	[simem:s6], [sflag:s4] =	dma.local [hbm:s3], $0xF7A  }
0x26: {  	[smem:$0x3F95] =	sst s1;
	(tag) =	ssettag s2;
	_ =	strace s9  }
0x27: {  	s1 =	sld [smem:$0x3FA5]  }
0x28: {  	s2 =	sld [smem:$0x3FA6]  }
0x29: {  	s4 =	sld [smem:$0x3FA8]  }
0x2a: {  	p0 =	seq.s32 s5, $0x0;
	s5 =	sld [smem:$0x3FA9]  }
0x2b: {  	s6 =	sld [smem:$0x3FAA]  }
0x2c: {  	s7 =	sld [smem:$0x3FAB]  }
0x2d: {  	s3 =	simm.s32 $0x108;
	s8 =	sld [smem:$0x3FAC]  }
0x2e: {  	s3 =	simm.s32 @!p0 $0x1082;
	s9 =	sld [smem:$0x3FAD]  }
0x2f: {  	lr =	sadd.s32 s0, s3;
	s0 =	sld [smem:$0x3FA4]  }
0x30: {  	s3 =	sld [smem:$0x3FA7]  }
0x31: {  	[smem:$0x3FB0] =	sst s10  }
0x32: {  	s10 =	sld [smem:$0x3FAE];
	_ =	sdelay $0x3  }
0x33: {  	p0 =	seq.s32 s10, $0x1;
	s10 =	sld [smem:$0x3FB0];
	_ =	sdelay $0x3  }
0x34: {  	[smem:$0x3FB0] =	sst s10  }
0x35: {  	s10 =	sld [smem:$0x3FAF];
	_ =	sdelay $0x3  }
0x36: {  	p1 =	seq.s32 s10, $0x1;
	s10 =	sld [smem:$0x3FB0];
	_ =	sdelay $0x3  }
0x37: {  	[smem:$0x3FB0] =	sst s10  }
0x38: {  	s10 =	sld [smem:$0x3FB1]  }
0x39: {  	_ = 	snop;
	(pc) =	sbr.ind lr, $3  }
0x3a: {  	_ = 	snop  }
0x3b: {  	_ = 	snop  }
0x3c: {  	p2 =	seq.s32 s10, $0x1;
	s10 =	sld [smem:$0x3FB0]  }
0x3d: {  	_ =	shalt  }
0x3e: {  	_ =	shalt  }
0x3f: {  	_ =	shalt  }
0x40: {  	_ =	shalt  }
0x41: {  	_ =	shalt  }
0x42: {  	_ =	shalt  }
0x43: {  	_ =	shalt  }
0x44: {  	_ =	shalt  }
0x45: {  	_ =	shalt  }
0x46: {  	_ =	shalt  }
0x47: {  	_ =	shalt  }
0x48: {  	_ =	shalt  }
0x49: {  	_ =	shalt  }
0x4a: {  	_ =	shalt  }
0x4b: {  	_ =	shalt  }
0x4c: {  	_ =	shalt  }
0x4d: {  	_ =	shalt  }
0x4e: {  	_ =	shalt  }
0x4f: {  	_ =	shalt  }
0x50: {  	_ =	shalt  }
0x51: {  	_ =	shalt  }
0x52: {  	_ =	shalt  }
0x53: {  	_ =	shalt  }
0x54: {  	_ =	shalt  }
0x55: {  	_ =	shalt  }
0x56: {  	_ =	shalt  }
0x57: {  	_ =	shalt  }
0x58: {  	_ =	shalt  }
0x59: {  	_ =	shalt  }
0x5a: {  	_ =	shalt  }
0x5b: {  	_ =	shalt  }
0x5c: {  	_ =	shalt  }
0x5d: {  	_ =	shalt  }
0x5e: {  	_ =	shalt  }
0x5f: {  	_ =	shalt  }
0x60: {  	_ =	shalt  }
0x61: {  	_ =	shalt  }
0x62: {  	_ =	shalt  }
0x63: {  	_ =	shalt  }
0x64: {  	_ =	shalt  }
0x65: {  	_ =	shalt  }
0x66: {  	_ =	shalt  }
0x67: {  	_ =	shalt  }
0x68: {  	_ =	shalt  }
0x69: {  	_ =	shalt  }
0x6a: {  	_ =	shalt  }
0x6b: {  	_ =	shalt  }
0x6c: {  	_ =	shalt  }
0x6d: {  	_ =	shalt  }
0x6e: {  	_ =	shalt  }
0x6f: {  	_ =	shalt  }
0x70: {  	_ =	shalt  }
0x71: {  	_ =	shalt  }
0x72: {  	_ =	shalt  }
0x73: {  	_ =	shalt  }
0x74: {  	_ =	shalt  }
0x75: {  	_ =	shalt  }
0x76: {  	_ =	shalt  }
0x77: {  	_ =	shalt  }
0x78: {  	_ =	shalt  }
0x79: {  	_ =	shalt  }
0x7a: {  	_ =	shalt  }
0x7b: {  	_ =	shalt  }
0x7c: {  	_ =	shalt  }
0x7d: {  	_ =	shalt  }
0x7e: {  	_ =	shalt  }
0x7f: {  	_ =	shalt  }
0x80: {  	_ =	shalt  }
0x81: {  	_ =	shalt  }
0x82: {  	_ =	shalt  }
0x83: {  	_ =	shalt  }
0x84: {  	_ =	shalt  }
0x85: {  	_ =	shalt  }
0x86: {  	_ =	shalt  }
0x87: {  	_ =	shalt  }
.Lfunc_end0:
.L_simem_size_0:
called_computation_lowered:
.L_overlay_start_0:
0x88: {  	s2 =	sld [smem:$0x3FD9]  }
0x89: {  	s3 =	sld [smem:$0x3FFE];
	_ =	sdelay $0x1  }
0x8a: {  	s1 =	srdreg.scid  }
0x8b: {  	s0 =	sand.u32 $0x1, s1  }
0x8c: {  	s14 =	sshll.u32 s0, $0xA;
	s2 =	sadd.s32 s3, s2  }
0x8d: {  	s2 =	sadd.s32 s2, s14  }
0x8e: {  	[smem:$0x3FBC] =	sst s2  }
0x8f: {  	_ = 	snop  }
0x90: {  	s2 =	sld [smem:$0x3FD0];
	_ =	sdelay $0x2  }
0x91: {  	s15 =	simm.s32 $0xA;
	s4 =	simm.s32 $0x10  }
0x92: {  	[smem:s4], [sflag:s15] =	dma.local [hbm:s2], $0x1  }
0x93: {  	_ =	swait.eq [sflag:s15], $0x1  }
0x94: {  	[sflag:s15] =	ssyncset.done $0x0  }
0x95: {  	s16 =	sld [smem:$0x10];
	[sflag:s15] =	ssyncadd.s32 $0xFFFFFFFF  }
0x96: {  	s17 =	sld [smem:$0x12];
	(tm) =	ssettm $0x1  }
0x97: {  	s18 =	sld [smem:$0x3FFB];
	_ =	sdelay $0x3  }
0x98: {  	_ =	strace s18  }
0x99: {  	s4 =	sld [smem:$0x3FFC];
	_ =	sdelay $0x3  }
0x9a: {  	_ =	strace s4  }
0x9b: {  	s4 =	sld [smem:$0x3FFD];
	_ =	sdelay $0x3  }
0x9c: {  	_ =	strace s4  }
0x9d: {  	_ =	strace $0x8FFFFFFF  }
0x9e: {  	s19 =	sld [smem:$0x3FDB];
	_ =	sdelay $0x1  }
0x9f: {  	s5 =	simm.s32 $_scs_section_size  }
0xa0: {  	s6 =	simm.s32 $_size__tile_overlayer_lowered;
	s7 =	simm.s32 $_tile_overlayer_lowered  }
0xa1: {  	s22 =	simm.s32 $0x1BFF;
	s21 =	sshll.u32 s7, $0x1;
	s4 =	sadd.s32 s5, s19  }
0xa2: {  	s8 =	simm.s32 $0x0;
	s20 =	sshll.u32 s6, $0x1;
	s6 =	sadd.s32 s21, s4  }
0xa3: {  	[timem:s8], [sflag:s22] =	dma.local [hbm:s6], s20  }
0xa4: {  	_ =	swait.ge [sflag:s22], s20  }
0xa5: {  	s5 =	ssub.s32 $0x0, s20;
	[sflag:s22] =	ssyncset.done $0x0  }
0xa6: {  	[sflag:s22] =	ssyncadd.s32 s5;
	_ =	sdelay $0x1  }
0xa7: {  	s23 =	simm.s32 $0x1B8B  }
0xa8: {  	_ =	swait.ge [sflag:s23], $0x1  }
0xa9: {  	[sflag:s23] =	ssyncset.done $0x0  }
0xaa: {  	s25 =	simm.s32 $0x1B8E;
	s24 =	sld [smem:$0x3FFE];
	[sflag:s23] =	ssyncadd.s32 $0xFFFFFFFF  }
0xab: {  	s26 =	simm.s32 $execute0_lowered;
	[smem:$0x3FD2] =	sst s25  }
0xac: {  	s6 =	sshll.u32 s26, $0x1;
	_ =	strace $0x80000046;
	[dreg:$0x1] =	wrdreg $0xFFFFFFFF  }
0xad: {  	s28 =	simm.s32 $_size_execute0_lowered;
	s4 =	sadd.s32 s4, s6;
	[dreg:$0x0] =	wrdreg $0x0  }
0xae: {  	s6 =	sshll.u32 s28, $0x1;
	[dreg:$0x2] =	wrdreg s4  }
0xaf: {  	[dreg:$0x3] =	wrdreg s6  }
0xb0: {  	[dreg:$0x4] =	wrdreg $0xC0  }
0xb1: {  	_ =	task [dreg:s8], $0x5FFFF  }
0xb2: {  	[dreg:$0x1] =	wrdreg $0xFFFFFFFF  }
0xb3: {  	[dreg:$0x0] =	wrdreg $0x60  }
0xb4: {  	[dreg:$0x2] =	wrdreg s24  }
0xb5: {  	[dreg:$0x3] =	wrdreg s16  }
0xb6: {  	[dreg:$0x4] =	wrdreg s17  }
0xb7: {  	[dreg:$0x5] =	wrdreg $0x9  }
0xb8: {  	_ =	task.clear_ibuf [dreg:s8], $0x6FFFF;
	_ =	strace $0x90000046  }
0xb9: {  	s29 =	simm.s32 $0x9;
	_ =	strace $0x80000048  }
0xba: {  	_ =	swait.ge [sflag:s29], $0x1  }
0xbb: {  	[sflag:s29] =	ssyncadd.s32 $0xFFFFFFFF  }
0xbc: {  	_ =	strace $0x90000048  }
0xbd: {  	_ =	sfence  }
0xbe: {  	s30 =	sld [smem:$0x0];
	_ =	sdelay $0x2  }
0xbf: {  	s31 =	sshll.u32 s1, $0xD;
	s1 =	sshrl.u32 s1, $0x2  }
0xc0: {  	s3 =	sand.u32 $0x4000, s31;
	s1 =	sadd.s32 s1, s30  }
0xc1: {  	s0 =	sor.u32 s3, s0;
	s1 =	sshll.u32 s1, $0x11  }
0xc2: {  	s0 =	sor.u32 s1, s0  }
0xc3: {  	s0 =	sadd.s32 $0x8F2B, s0  }
0xc4: {  	[sflag:s0] =	ssyncadd.remote.s32 $0x1  }
0xc5: {  	_ =	sfence.sel $0xFFFF  }
0xc6: {  	[dreg:$0x0] =	wrdreg $0xFFFFFFFF;
	(pc) =	sbr.abs _section_cstart, $3  }
0xc7: {  	[dreg:$0x1] =	wrdreg $0xFFFFFFFF  }
0xc8: {  	_ =	task.clear_ibuf [dreg:s8], $0x2FFFF;
	_ =	strace $0x9FFFFFFF  }
0xc9: {  	(tm) =	ssettm $0x7FFFFFFF  }
tec
execute0_lowered:
.L_overlay_start_1:
0x0: {  	(tag) =	ssettag $0x1  }
0x1: {  	s1 =	rddreg [dreg:$0x0]  }
0x2: {  	s2 =	srdreg.scid;
	s4 =	rddreg [dreg:$0x1]  }
0x3: {  	s0 =	stileid.u32;
	s8 =	rddreg [dreg:$0x2];
	s6 =	sand.u32 $0x1, s2  }
0x4: {  	s3 =	simm.s32 $0x0;
	s5 =	sshll.u32 s0, $0x8;
	s7 =	sshll.u32 s6, $0x7  }
0x5: {  	[smem:$0x7FF] =	sst s3;
	s9 =	sor.u32 s7, s5  }
0x6: {  	s2 =	rddreg [dreg:$0x3];
	_ =	strace $0x80000047;
	s5 =	sshrl.u32 s9, $0x3  }
0x7: {  	s10 =	ssub.s32 $0x2, s6;
	s5 =	sadd.s32 s4, s5;
	s4 =	simm.s32 $0x2  }
0x8: {  	[tilespmem:s3], [sflag:$0x2] =	stream.linear.gather [hbm4b:s5+s3], $0x80, $0x38;
	[tilespmem:$0x4080] =	vst v63  }
0x9: {  	s11 =	sshrl.u32 s10, $0x1;
	_ =	swait.ge [sflag:s4], $0x80  }
0xa: {  	s6 =	simm.s32 $0x80;
	s10 =	ssub.s32 s10, s11;
	[sflag:s4] =	ssyncset.done $0x0  }
0xb: {  	s7 =	simm.s32 $0x1;
	s31 =	smax.u32 s10, $0x1;
	[sflag:s4] =	ssyncadd.s32 $0xFFFFFF80  }
0xc: {  	[tilespmem:s6], [sflag:$0x1] =	stream.indirect.gather [hbm4b:s1+s6], $0x80, s3, s6, $0xb8;
	[tilespmem:$0x4080] =	vst v63  }
0xd: {  	p0 =	sne.s32 s31, $0x1;
	_ =	swait.ge [sflag:s7], $0x4000  }
.Ltmp0:
0xe: {  	s9 =	sshll.u32 s9, $0x4;
	[sflag:s7] =	ssyncset.done $0x0;
	(pc) =	sbr.rel @!p0 .LBB2_2-.Ltmp0, $4  }
0xf: {  	s8 =	sadd.s32 s8, s9;
	[sflag:s7] =	ssyncadd.s32 $0xFFFFC000  }
0x10: {  	[hbm4b:s8+s3] =	stream.linear.scatter [tilespmem:s6], [sflag:$0x2], $0x4000, $0x38;
	[tilespmem:$0x4080] =	vst v63  }
0x11: {  	_ =	swait.ge [sflag:s4], $0x4000  }
0x12: {  	s9 =	sadd.s32 $0xFFFFFFFF, s31;
	[sflag:s4] =	ssyncset.done $0x0  }
.LBB2_1:
0x13: {  	p0 =	sne.s32 s9, $0x1;
	s9 =	sadd.s32 $0xFFFFFFFF, s9;
	[sflag:s4] =	ssyncadd.s32 $0xFFFFC000  }
0x14: {  	[tilespmem:s3], [sflag:$0x2] =	stream.linear.gather [hbm4b:s5+s3], $0x80, $0x38;
	[tilespmem:$0x4080] =	vst v63  }
0x15: {  	_ =	swait.ge [sflag:s4], $0x80  }
0x16: {  	[sflag:s4] =	ssyncset.done $0x0  }
0x17: {  	[sflag:s4] =	ssyncadd.s32 $0xFFFFFF80  }
0x18: {  	[tilespmem:s6], [sflag:$0x1] =	stream.indirect.gather [hbm4b:s1+s6], $0x80, s3, s6, $0xb8;
	[tilespmem:$0x4080] =	vst v63  }
0x19: {  	_ =	swait.ge [sflag:s7], $0x4000  }
.Ltmp1:
0x1a: {  	[sflag:s7] =	ssyncset.done $0x0;
	(pc) =	sbr.rel @p0 .LBB2_1-.Ltmp1, $4  }
0x1b: {  	[sflag:s7] =	ssyncadd.s32 $0xFFFFC000  }
0x1c: {  	[hbm4b:s8+s3] =	stream.linear.scatter [tilespmem:s6], [sflag:$0x2], $0x4000, $0x38;
	[tilespmem:$0x4080] =	vst v63  }
0x1d: {  	_ =	swait.ge [sflag:s4], $0x4000  }
0x1e: {  	[sflag:s4] =	ssyncset.done $0x0  }
.LBB2_2:
0x1f: {  	[sflag:s4] =	ssyncadd.s32 $0xFFFFC000  }
0x20: {  	_ =	sfence.sel $0x180000  }
0x21: {  	[bflag:$0x0] =	sbarrier.arrive $0xFFFF  }
0x22: {  	p0 =	sne.s32 s0, $0x0;
	_ =	strace $0x90000047  }
0x23: {  	s0 =	sadd.s32 @!p0 $0x100000, s2;
	[bflag:$0x2] =	sbarrier.arrive $0xFFFF  }
0x24: {  	[sflag:s0] =	ssyncadd.tile.s32 @!p0 $0x1;
	_ =	shalt  }
.Lfunc_end2:
_tile_overlayer_lowered:
.L_overlay_start_2:
0x25: {  	(tag) =	ssettag $0x2  }
0x26: {  	s0 =	rddreg [dreg:$0x0];
	s2 =	stileid.u32  }
0x27: {  	s1 =	rddreg [dreg:$0x1];
	p0 =	sne.s32 s2, $0x0  }
0x28: {  	s3 =	rddreg [dreg:$0x2];
	[bflag:$0x3] =	sbarrier.arrive $0xFFFF;
	s2 =	simm.s32 @!p0 $0x1C02  }
0x29: {  	[timem:s3], [sflag:s2] =	dma.local @!p0 [hbm:s0], s1  }
0x2a: {  	s0 =	simm.s32 @!p0 $0x2  }
0x2b: {  	_ =	swait.ge @!p0 [sflag:s0], s1  }
0x2c: {  	s1 =	ssub.s32 @!p0 $0x0, s1;
	[sflag:s0] =	ssyncset.done @!p0 $0x0  }
0x2d: {  	[sflag:s0] =	ssyncadd.s32 @!p0 s1  }
0x2e: {  	[bflag:$0x3] =	sbarrier.arrive $0xFFFF  }
0x2f: {  	_ =	shalt  }

// kernel: kernel.14.cloned.1.call-start
scs
__scs_entry_jumppad:
0x0: {  	(pc) =	sbr.rel $0x88, $3  }
0x1: {  	(tag) =	ssettag $0x0;
	lr =	simm.s32 $0x1  }
0x2: {  	[smem:$0x3F95] =	sst lr;
	_ =	strace $0xD0000000  }
0x3: {  	_ = 	snop  }
0x4: {  	_ = 	snop  }
0x5: {  	_ = 	snop  }
0x6: {  	_ = 	snop  }
0x7: {  	_ = 	snop  }
__scs_overlays_trampoline_lowered:
0x8: {  	[smem:$0x3FA4] =	sst s0  }
0x9: {  	[smem:$0x3FA5] =	sst s1  }
0xa: {  	[smem:$0x3FA6] =	sst s2  }
0xb: {  	[smem:$0x3FA7] =	sst s3  }
0xc: {  	[smem:$0x3FA8] =	sst s4  }
0xd: {  	[smem:$0x3FA9] =	sst s5  }
0xe: {  	[smem:$0x3FAA] =	sst s6  }
0xf: {  	[smem:$0x3FAB] =	sst s7  }
0x10: {  	[smem:$0x3FAC] =	sst s8  }
0x11: {  	[smem:$0x3FAD] =	sst s9;
	s0 =	simm.s32 @!p0 $0x0  }
0x12: {  	s1 =	sld [smem:$0x3F93];
	s0 =	simm.s32 @p0 $0x1  }
0x13: {  	[smem:$0x3FAE] =	sst s0;
	s0 =	simm.s32 @!p1 $0x0  }
0x14: {  	s2 =	sld [smem:$0x3F92];
	s0 =	simm.s32 @p1 $0x1  }
0x15: {  	[smem:$0x3FAF] =	sst s0;
	s0 =	simm.s32 @!p2 $0x0  }
0x16: {  	s3 =	sld [smem:$0x3FDB];
	s0 =	simm.s32 @p2 $0x1  }
0x17: {  	s4 =	simm.s32 $0x1BF5;
	[smem:$0x3FB1] =	sst s0  }
0x18: {  	s0 =	sld [smem:$0x3F94];
	_ =	swait.ge [sflag:s4], $0x0  }
0x19: {  	s7 =	sld [smem:$0x3F95]  }
0x1a: {  	s8 =	sadd.s32 $0xFFFFE003, lr  }
0x1b: {  	s9 =	sadd.s32 $0xFFFFFEF7, lr;
	s5 =	simm.s32 $0xFFFFFFFF;
	p2 =	slt.u32 s8, $0xFFFFF086  }
0x1c: {  	p1 =	slt.u32 s9, $0xF7A;
	s5 =	simm.s32 @!p2 $0x0  }
0x1d: {  	s5 =	simm.s32 @p1 $0x1;
	p0 =	seq.s32 s7, s2  }
0x1e: {  	s7 =	smul.u32 @!p0 $0xF7A, s2;
	p2 =	seq.s32 @!p0 s5, $0x0  }
0x1f: {  	s9 =	smul.u32 $0xF7A, s1;
	s8 =	simm.s32 @!p0 $0x1BF5;
	p2 =	por !p2, p0  }
0x20: {  	[sflag:s8] =	ssyncset.s32 @!p0 $0xFFFFF086;
	s6 =	sadd.s32 @!p0 s3, s7;
	s7 =	simm.s32 @!p0 $0x108  }
0x21: {  	s3 =	sadd.s32 s3, s9;
	s6 =	sadd.s32 @!p0 $0x88, s6;
	s7 =	simm.s32 @p2 $0x1082  }
0x22: {  	[simem:s7], [sflag:s8] =	dma.local @!p0 [hbm:s6], $0xF7A  }
0x23: {  	s9 =	sor.u32 $0xD0000000, s2;
	s6 =	simm.s32 $0x108;
	_ =	swait.ge @!p0 [sflag:s8], $0x0  }
0x24: {  	s3 =	sadd.s32 $0x88, s3;
	s6 =	simm.s32 @!p1 $0x1082;
	[sflag:s4] =	ssyncset.s32 $0xFFFFF086  }
0x25: {  	[simem:s6], [sflag:s4] =	dma.local [hbm:s3], $0xF7A  }
0x26: {  	[smem:$0x3F95] =	sst s1;
	(tag) =	ssettag s2;
	_ =	strace s9  }
0x27: {  	s1 =	sld [smem:$0x3FA5]  }
0x28: {  	s2 =	sld [smem:$0x3FA6]  }
0x29: {  	s4 =	sld [smem:$0x3FA8]  }
0x2a: {  	p0 =	seq.s32 s5, $0x0;
	s5 =	sld [smem:$0x3FA9]  }
0x2b: {  	s6 =	sld [smem:$0x3FAA]  }
0x2c: {  	s7 =	sld [smem:$0x3FAB]  }
0x2d: {  	s3 =	simm.s32 $0x108;
	s8 =	sld [smem:$0x3FAC]  }
0x2e: {  	s3 =	simm.s32 @!p0 $0x1082;
	s9 =	sld [smem:$0x3FAD]  }
0x2f: {  	lr =	sadd.s32 s0, s3;
	s0 =	sld [smem:$0x3FA4]  }
0x30: {  	s3 =	sld [smem:$0x3FA7]  }
0x31: {  	[smem:$0x3FB0] =	sst s10  }
0x32: {  	s10 =	sld [smem:$0x3FAE];
	_ =	sdelay $0x3  }
0x33: {  	p0 =	seq.s32 s10, $0x1;
	s10 =	sld [smem:$0x3FB0];
	_ =	sdelay $0x3  }
0x34: {  	[smem:$0x3FB0] =	sst s10  }
0x35: {  	s10 =	sld [smem:$0x3FAF];
	_ =	sdelay $0x3  }
0x36: {  	p1 =	seq.s32 s10, $0x1;
	s10 =	sld [smem:$0x3FB0];
	_ =	sdelay $0x3  }
0x37: {  	[smem:$0x3FB0] =	sst s10  }
0x38: {  	s10 =	sld [smem:$0x3FB1]  }
0x39: {  	_ = 	snop;
	(pc) =	sbr.ind lr, $3  }
0x3a: {  	_ = 	snop  }
0x3b: {  	_ = 	snop  }
0x3c: {  	p2 =	seq.s32 s10, $0x1;
	s10 =	sld [smem:$0x3FB0]  }
0x3d: {  	_ =	shalt  }
0x3e: {  	_ =	shalt  }
0x3f: {  	_ =	shalt  }
0x40: {  	_ =	shalt  }
0x41: {  	_ =	shalt  }
0x42: {  	_ =	shalt  }
0x43: {  	_ =	shalt  }
0x44: {  	_ =	shalt  }
0x45: {  	_ =	shalt  }
0x46: {  	_ =	shalt  }
0x47: {  	_ =	shalt  }
0x48: {  	_ =	shalt  }
0x49: {  	_ =	shalt  }
0x4a: {  	_ =	shalt  }
0x4b: {  	_ =	shalt  }
0x4c: {  	_ =	shalt  }
0x4d: {  	_ =	shalt  }
0x4e: {  	_ =	shalt  }
0x4f: {  	_ =	shalt  }
0x50: {  	_ =	shalt  }
0x51: {  	_ =	shalt  }
0x52: {  	_ =	shalt  }
0x53: {  	_ =	shalt  }
0x54: {  	_ =	shalt  }
0x55: {  	_ =	shalt  }
0x56: {  	_ =	shalt  }
0x57: {  	_ =	shalt  }
0x58: {  	_ =	shalt  }
0x59: {  	_ =	shalt  }
0x5a: {  	_ =	shalt  }
0x5b: {  	_ =	shalt  }
0x5c: {  	_ =	shalt  }
0x5d: {  	_ =	shalt  }
0x5e: {  	_ =	shalt  }
0x5f: {  	_ =	shalt  }
0x60: {  	_ =	shalt  }
0x61: {  	_ =	shalt  }
0x62: {  	_ =	shalt  }
0x63: {  	_ =	shalt  }
0x64: {  	_ =	shalt  }
0x65: {  	_ =	shalt  }
0x66: {  	_ =	shalt  }
0x67: {  	_ =	shalt  }
0x68: {  	_ =	shalt  }
0x69: {  	_ =	shalt  }
0x6a: {  	_ =	shalt  }
0x6b: {  	_ =	shalt  }
0x6c: {  	_ =	shalt  }
0x6d: {  	_ =	shalt  }
0x6e: {  	_ =	shalt  }
0x6f: {  	_ =	shalt  }
0x70: {  	_ =	shalt  }
0x71: {  	_ =	shalt  }
0x72: {  	_ =	shalt  }
0x73: {  	_ =	shalt  }
0x74: {  	_ =	shalt  }
0x75: {  	_ =	shalt  }
0x76: {  	_ =	shalt  }
0x77: {  	_ =	shalt  }
0x78: {  	_ =	shalt  }
0x79: {  	_ =	shalt  }
0x7a: {  	_ =	shalt  }
0x7b: {  	_ =	shalt  }
0x7c: {  	_ =	shalt  }
0x7d: {  	_ =	shalt  }
0x7e: {  	_ =	shalt  }
0x7f: {  	_ =	shalt  }
0x80: {  	_ =	shalt  }
0x81: {  	_ =	shalt  }
0x82: {  	_ =	shalt  }
0x83: {  	_ =	shalt  }
0x84: {  	_ =	shalt  }
0x85: {  	_ =	shalt  }
0x86: {  	_ =	shalt  }
0x87: {  	_ =	shalt  }
.Lfunc_end0:
.L_simem_size_0:
called_computation.1_lowered:
.L_overlay_start_0:
0x88: {  	s2 =	sld [smem:$0x3FD9]  }
0x89: {  	s3 =	sld [smem:$0x3FFE];
	_ =	sdelay $0x1  }
0x8a: {  	s1 =	srdreg.scid  }
0x8b: {  	s0 =	sand.u32 $0x1, s1  }
0x8c: {  	s16 =	sshll.u32 s0, $0xA;
	s2 =	sadd.s32 s3, s2  }
0x8d: {  	s2 =	sadd.s32 s2, s16  }
0x8e: {  	[smem:$0x3FBC] =	sst s2  }
0x8f: {  	_ = 	snop  }
0x90: {  	(tm) =	ssettm $0x1  }
0x91: {  	s17 =	sld [smem:$0x3FFB];
	_ =	sdelay $0x3  }
0x92: {  	_ =	strace s17  }
0x93: {  	s2 =	sld [smem:$0x3FFC];
	_ =	sdelay $0x3  }
0x94: {  	_ =	strace s2  }
0x95: {  	s2 =	sld [smem:$0x3FFD];
	_ =	sdelay $0x3  }
0x96: {  	_ =	strace s2  }
0x97: {  	_ =	strace $0x8FFFFFFF  }
0x98: {  	s18 =	sld [smem:$0x3FDB];
	_ =	sdelay $0x1  }
0x99: {  	s19 =	simm.s32 $_scs_section_size  }
0x9a: {  	s4 =	simm.s32 $_size__tile_overlayer_lowered;
	s5 =	simm.s32 $_tile_overlayer_lowered  }
0x9b: {  	s22 =	simm.s32 $0x1BFF;
	s21 =	sshll.u32 s5, $0x1;
	s2 =	sadd.s32 s19, s18  }
0x9c: {  	s6 =	simm.s32 $0x0;
	s20 =	sshll.u32 s4, $0x1;
	s4 =	sadd.s32 s21, s2  }
0x9d: {  	[timem:s6], [sflag:s22] =	dma.local [hbm:s4], s20  }
0x9e: {  	_ =	swait.ge [sflag:s22], s20  }
0x9f: {  	s3 =	ssub.s32 $0x0, s20;
	[sflag:s22] =	ssyncset.done $0x0  }
0xa0: {  	[sflag:s22] =	ssyncadd.s32 s3;
	_ =	sdelay $0x1  }
0xa1: {  	s23 =	simm.s32 $0x1B8B  }
0xa2: {  	_ =	swait.ge [sflag:s23], $0x1  }
0xa3: {  	[sflag:s23] =	ssyncset.done $0x0  }
0xa4: {  	s25 =	simm.s32 $0x1B8E;
	s24 =	sld [smem:$0x3FFE];
	[sflag:s23] =	ssyncadd.s32 $0xFFFFFFFF  }
0xa5: {  	s26 =	simm.s32 $execute0_lowered;
	[smem:$0x3FD2] =	sst s25  }
0xa6: {  	s4 =	sshll.u32 s26, $0x1;
	_ =	strace $0x80000049;
	[dreg:$0x1] =	wrdreg $0xFFFFFFFF  }
0xa7: {  	s28 =	simm.s32 $_size_execute0_lowered;
	s2 =	sadd.s32 s2, s4;
	[dreg:$0x0] =	wrdreg $0x0  }
0xa8: {  	s4 =	sshll.u32 s28, $0x1;
	[dreg:$0x2] =	wrdreg s2  }
0xa9: {  	[dreg:$0x3] =	wrdreg s4  }
0xaa: {  	[dreg:$0x4] =	wrdreg $0xC0  }
0xab: {  	_ =	task [dreg:s6], $0x5FFFF  }
0xac: {  	[dreg:$0x1] =	wrdreg $0xFFFFFFFF  }
0xad: {  	[dreg:$0x0] =	wrdreg $0x60  }
0xae: {  	[dreg:$0x2] =	wrdreg s24  }
0xaf: {  	[dreg:$0x3] =	wrdreg $0x9  }
0xb0: {  	_ =	task.clear_ibuf [dreg:s6], $0x4FFFF;
	_ =	strace $0x90000049  }
0xb1: {  	s29 =	simm.s32 $0x9;
	_ =	strace $0x8000004B  }
0xb2: {  	_ =	swait.ge [sflag:s29], $0x1  }
0xb3: {  	[sflag:s29] =	ssyncadd.s32 $0xFFFFFFFF  }
0xb4: {  	_ =	strace $0x9000004B  }
0xb5: {  	_ =	sfence  }
0xb6: {  	s30 =	sld [smem:$0x0];
	_ =	sdelay $0x2  }
0xb7: {  	s31 =	sshll.u32 s1, $0xD;
	s1 =	sshrl.u32 s1, $0x2  }
0xb8: {  	s3 =	sand.u32 $0x4000, s31;
	s1 =	sadd.s32 s1, s30  }
0xb9: {  	s0 =	sor.u32 s3, s0;
	s1 =	sshll.u32 s1, $0x11  }
0xba: {  	s0 =	sor.u32 s1, s0  }
0xbb: {  	s0 =	sadd.s32 $0x8F2B, s0  }
0xbc: {  	[sflag:s0] =	ssyncadd.remote.s32 $0x1  }
0xbd: {  	_ =	sfence.sel $0xFFFF  }
0xbe: {  	[dreg:$0x0] =	wrdreg $0xFFFFFFFF;
	(pc) =	sbr.abs _section_cstart, $3  }
0xbf: {  	[dreg:$0x1] =	wrdreg $0xFFFFFFFF  }
0xc0: {  	_ =	task.clear_ibuf [dreg:s6], $0x2FFFF;
	_ =	strace $0x9FFFFFFF  }
0xc1: {  	(tm) =	ssettm $0x7FFFFFFF  }
tec
execute0_lowered:
.L_overlay_start_1:
0x0: {  	(tag) =	ssettag $0x1  }
0x1: {  	s1 =	rddreg [dreg:$0x0]  }
0x2: {  	s0 =	rddreg [dreg:$0x1];
	s3 =	simm.s32 $0x0;
	s4 =	srdreg.scid  }
0x3: {  	s2 =	stileid.u32;
	s11 =	simm.s32 $0x4080;
	s12 =	simm.s32 $0x1  }
0x4: {  	s13 =	simm.s32 $0x2;
	s14 =	simm.s32 $0x0;
	[smem:$0x7FF] =	sst s3  }
0x5: {  	s5 =	sand.u32 $0x1, s4;
	s6 =	sshll.u32 s2, $0xD;
	s4 =	sadd.s32 $0x40000, s1  }
0x6: {  	s8 =	sshll.u32 s2, $0x11;
	_ =	strace $0x8000004A;
	s7 =	sshll.u32 s5, $0xC  }
0x7: {  	s29 =	ssub.s32 $0x2, s5;
	s8 =	sadd.s32 s8, s1;
	s30 =	sshll.u32 s5, $0x10  }
0x8: {  	s6 =	sor.u32 s7, s6;
	s9 =	sshrl.u32 s29, $0x1;
	s31 =	sadd.s32 s30, s8  }
0x9: {  	s6 =	sshrl.u32 s6, $0x3;
	s7 =	ssub.s32 s29, s9;
	s9 =	simm.s32 $0x3  }
0xa: {  	s10 =	sadd.s32 s6, s1;
	s5 =	smax.u32 s7, $0x1;
	s6 =	sadd.s32 $0x84000, s31  }
0xb: {  	s7 =	sadd.s32 $0x284000, s31;
	s8 =	sadd.s32 $0x80000, s10;
	s10 =	simm.s32 $0x80  }
.LBB2_1:
0xc: {  	[tilespmem:s3], [sflag:$0x3] =	stream.linear.gather [hbm4b:s8+s3], $0x80, $0x38;
	[tilespmem:$0x8080] =	vst v63  }
0xd: {  	_ =	swait.ge [sflag:s9], $0x80  }
0xe: {  	[sflag:s9] =	ssyncset.done $0x0  }
0xf: {  	[sflag:s9] =	ssyncadd.s32 $0xFFFFFF80  }
0x10: {  	[tilespmem:s10], [sflag:$0x1] =	stream.indirect.gather [hbm4b:s1+s10], $0x80, s3, s10, $0xb8;
	[tilespmem:$0x8080] =	vst v63  }
0x11: {  	_ = 	snop  }
0x12: {  	[tilespmem:s11], [sflag:$0x2] =	stream.indirect.gather [hbm4b:s4+s10], $0x80, s3, s10, $0xb8;
	[tilespmem:$0x8080] =	vst v63  }
0x13: {  	_ =	swait.ge [sflag:s12], $0x4000  }
0x14: {  	[sflag:s12] =	ssyncset.done $0x0  }
0x15: {  	[sflag:s12] =	ssyncadd.s32 $0xFFFFC000  }
0x16: {  	_ =	swait.ge [sflag:s13], $0x4000  }
0x17: {  	[sflag:s13] =	ssyncset.done $0x0  }
0x18: {  	s15 =	sadd.s32 $0x0, s6;
	[sflag:s13] =	ssyncadd.s32 $0xFFFFC000  }
0x19: {  	[hbm4b:s15+s3] =	stream.linear.scatter [tilespmem:s10], [sflag:$0x3], $0x4000, $0x38;
	[tilespmem:$0x8080] =	vst v63  }
0x1a: {  	_ =	swait.ge [sflag:s9], $0x4000  }
0x1b: {  	[sflag:s9] =	ssyncset.done $0x0  }
0x1c: {  	s31 =	sadd.s32 $0x0, s7;
	[sflag:s9] =	ssyncadd.s32 $0xFFFFC000  }
0x1d: {  	[hbm4b:s31+s3] =	stream.linear.scatter [tilespmem:s11], [sflag:$0x3], $0x4000, $0x38;
	[tilespmem:$0x8080] =	vst v63  }
0x1e: {  	_ =	swait.ge [sflag:s9], $0x4000  }
0x1f: {  	s16 =	smov.u32 s8;
	s15 =	simm.s32 $0x800;
	[sflag:s9] =	ssyncset.done $0x0  }
.LBB2_2:
0x20: {  	p0 =	sne.s32 s15, $0xF800;
	[sflag:s9] =	ssyncadd.s32 $0xFFFFC000;
	s16 =	sadd.s32 $0x10, s16  }
0x21: {  	[tilespmem:s3], [sflag:$0x3] =	stream.linear.gather [hbm4b:s16+s3], $0x80, $0x38;
	[tilespmem:$0x8080] =	vst v63  }
0x22: {  	s17 =	smov.u32 s15;
	s15 =	sadd.s32 $0x800, s15;
	_ =	swait.ge [sflag:s9], $0x80  }
0x23: {  	[sflag:s9] =	ssyncset.done $0x0  }
0x24: {  	[sflag:s9] =	ssyncadd.s32 $0xFFFFFF80  }
0x25: {  	[tilespmem:s10], [sflag:$0x1] =	stream.indirect.gather [hbm4b:s1+s10], $0x80, s3, s10, $0xb8;
	[tilespmem:$0x8080] =	vst v63  }
0x26: {  	_ = 	snop  }
0x27: {  	[tilespmem:s11], [sflag:$0x2] =	stream.indirect.gather [hbm4b:s4+s10], $0x80, s3, s10, $0xb8;
	[tilespmem:$0x8080] =	vst v63  }
0x28: {  	_ =	swait.ge [sflag:s12], $0x4000  }
0x29: {  	[sflag:s12] =	ssyncset.done $0x0  }
0x2a: {  	[sflag:s12] =	ssyncadd.s32 $0xFFFFC000  }
0x2b: {  	_ =	swait.ge [sflag:s13], $0x4000  }
0x2c: {  	[sflag:s13] =	ssyncset.done $0x0  }
0x2d: {  	s18 =	sadd.s32 s17, s6;
	[sflag:s13] =	ssyncadd.s32 $0xFFFFC000  }
0x2e: {  	[hbm4b:s18+s3] =	stream.linear.scatter [tilespmem:s10], [sflag:$0x3], $0x4000, $0x38;
	[tilespmem:$0x8080] =	vst v63  }
0x2f: {  	_ =	swait.ge [sflag:s9], $0x4000  }
.Ltmp0:
0x30: {  	[sflag:s9] =	ssyncset.done $0x0;
	(pc) =	sbr.rel @p0 .LBB2_2-.Ltmp0, $4  }
0x31: {  	s17 =	sadd.s32 s17, s7;
	[sflag:s9] =	ssyncadd.s32 $0xFFFFC000  }
0x32: {  	[hbm4b:s17+s3] =	stream.linear.scatter [tilespmem:s11], [sflag:$0x3], $0x4000, $0x38;
	[tilespmem:$0x8080] =	vst v63  }
0x33: {  	_ =	swait.ge [sflag:s9], $0x4000  }
0x34: {  	[sflag:s9] =	ssyncset.done $0x0  }
0x35: {  	s14 =	sadd.s32 $0x1, s14  }
0x36: {  	p0 =	sne.s32 s14, s5  }
.Ltmp1:
0x37: {  	_ = 	snop;
	(pc) =	sbr.rel @p0 .LBB2_1-.Ltmp1, $2  }
0x38: {  	_ =	sdelay $0x2  }
0x39: {  	[sflag:s9] =	ssyncadd.s32 $0xFFFFC000  }
0x3a: {  	_ =	sfence.sel $0x180000  }
0x3b: {  	[bflag:$0x0] =	sbarrier.arrive $0xFFFF  }
0x3c: {  	p0 =	sne.s32 s2, $0x0;
	_ =	strace $0x9000004A  }
0x3d: {  	s0 =	sadd.s32 @!p0 $0x100000, s0;
	[bflag:$0x2] =	sbarrier.arrive $0xFFFF  }
0x3e: {  	[sflag:s0] =	ssyncadd.tile.s32 @!p0 $0x1;
	_ =	shalt  }
.Lfunc_end2:
_tile_overlayer_lowered:
.L_overlay_start_2:
0x3f: {  	(tag) =	ssettag $0x2  }
0x40: {  	s0 =	rddreg [dreg:$0x0];
	s2 =	stileid.u32  }
0x41: {  	s1 =	rddreg [dreg:$0x1];
	p0 =	sne.s32 s2, $0x0  }
0x42: {  	s3 =	rddreg [dreg:$0x2];
	[bflag:$0x3] =	sbarrier.arrive $0xFFFF;
	s2 =	simm.s32 @!p0 $0x1C03  }
0x43: {  	[timem:s3], [sflag:s2] =	dma.local @!p0 [hbm:s0], s1  }
0x44: {  	s0 =	simm.s32 @!p0 $0x3  }
0x45: {  	_ =	swait.ge @!p0 [sflag:s0], s1  }
0x46: {  	s1 =	ssub.s32 @!p0 $0x0, s1;
	[sflag:s0] =	ssyncset.done @!p0 $0x0  }
0x47: {  	[sflag:s0] =	ssyncadd.s32 @!p0 s1  }
0x48: {  	[bflag:$0x3] =	sbarrier.arrive $0xFFFF  }
0x49: {  	_ =	shalt  }

</sc_bundles>
